<compile_context>
chip_gen: v7x
topology: tpu7x:2x2x1
jax: 0.10.2.dev20260603
libtpu: 0.0.44.dev20260713+nightly
codegen_flags: <defaults>
</compile_context>

<pallas_src>
import jax
import jax.numpy as jnp
from jax import lax
from jax.experimental import pallas as pl
from jax.experimental.pallas import tpu as pltpu
from jax.experimental.pallas import tpu_sc as plsc

N = 10000
E = 320000
D = 128
NC = 2
NS = 16
NW = NC * NS
CK = 128
NCH = 80
EPT = NCH * CK
EPAD = NW * EPT
RPT = 640
NPAD = NS * RPT

_sc_mesh = plsc.VectorSubcoreMesh(
    core_axis_name="c", subcore_axis_name="s", num_cores=NC, num_subcores=NS
)

_f32 = jnp.float32


def _deg_body(dst_hbm, out0, out1, zb, didx_all, ones, acc, dsem):
    c = lax.axis_index("c")
    s = lax.axis_index("s")
    cbase = (c * NS + s) * NCH
    pltpu.sync_copy(dst_hbm.at[pl.ds(cbase, NCH)], didx_all)
    zeros16 = jnp.zeros((16,), _f32)

    def zloop(i, carry):
        zb[pl.ds(i * 16, 16)] = zeros16
        return carry

    lax.fori_loop(0, RPT // 16, zloop, 0)
    ones16 = jnp.ones((16,), _f32)
    for i in range(CK // 16):
        ones[pl.ds(i * 16, 16)] = ones16
    pltpu.sync_copy(zb, acc.at[pl.ds(s * RPT, RPT)])
    plsc.subcore_barrier()

    def chunk(j, carry):
        pltpu.async_copy(ones, acc.at[didx_all.at[j]], dsem, add=True)
        return carry

    lax.fori_loop(0, NCH, chunk, 0)

    def drain(j, carry):
        pltpu.make_async_copy(ones, acc.at[didx_all.at[j]], dsem).wait()
        return carry

    lax.fori_loop(0, NCH, drain, 0)
    plsc.subcore_barrier()

    @pl.when(jnp.logical_and(c == 0, s == 0))
    def _():
        pltpu.sync_copy(acc, out0)

    @pl.when(jnp.logical_and(c == 1, s == 0))
    def _():
        pltpu.sync_copy(acc, out1)


_deg_kernel = pl.kernel(
    _deg_body,
    out_type=(
        jax.ShapeDtypeStruct((NPAD,), _f32),
        jax.ShapeDtypeStruct((NPAD,), _f32),
    ),
    mesh=_sc_mesh,
    scratch_types=[
        pltpu.VMEM((RPT,), _f32),
        pltpu.VMEM((NCH, CK), jnp.int32),
        pltpu.VMEM((CK,), _f32),
        pltpu.VMEM_SHARED((NPAD,), _f32),
        pltpu.SemaphoreType.DMA,
    ],
)


def _agg_body(g_hbm, src_hbm, dst_hbm, out0, out1,
              sidx_all, didx0, didx1, rows0, rows1, acc, sem0, sem1, semd0, semd1):
    c = lax.axis_index("c")
    s = lax.axis_index("s")
    cbase = (c * NS + s) * NCH
    ebase = cbase * CK

    pltpu.sync_copy(src_hbm.at[pl.ds(cbase, NCH)], sidx_all)

    zeros16 = jnp.zeros((16,), _f32)

    def zloop(i, carry):
        r = i // 8
        q = i - r * 8
        rows0[r, pl.ds(q * 16, 16)] = zeros16
        return carry

    lax.fori_loop(0, CK * (D // 16), zloop, 0)
    for p in range(RPT // 128):
        pltpu.sync_copy(rows0, acc.at[pl.ds(s * RPT + p * 128, 128)])

    pltpu.async_copy(dst_hbm.at[pl.ds(ebase, CK)], didx0, semd0)
    pltpu.async_copy(dst_hbm.at[pl.ds(ebase + CK, CK)], didx1, semd1)
    pltpu.async_copy(g_hbm.at[sidx_all.at[0]], rows0, sem0)
    pltpu.async_copy(g_hbm.at[sidx_all.at[1]], rows1, sem1)
    plsc.subcore_barrier()

    def chunk(j, carry):
        b = lax.rem(j, 2)

        def do(didx, rows, sem, semd):
            pltpu.make_async_copy(dst_hbm.at[pl.ds(ebase + j * CK, CK)], didx, semd).wait()
            pltpu.make_async_copy(g_hbm.at[sidx_all.at[j]], rows, sem).wait()
            pltpu.sync_copy(rows, acc.at[didx], add=True)

            @pl.when(j + 2 < NCH)
            def _():
                pltpu.async_copy(dst_hbm.at[pl.ds(ebase + (j + 2) * CK, CK)], didx, semd)
                pltpu.async_copy(g_hbm.at[sidx_all.at[j + 2]], rows, sem)

        @pl.when(b == 0)
        def _():
            do(didx0, rows0, sem0, semd0)

        @pl.when(b == 1)
        def _():
            do(didx1, rows1, sem1, semd1)

        return carry

    lax.fori_loop(0, NCH, chunk, 0)
    plsc.subcore_barrier()

    tail = N - 15 * RPT

    @pl.when(jnp.logical_and(c == 0, s < 15))
    def _():
        pltpu.sync_copy(acc.at[pl.ds(s * RPT, RPT)], out0.at[pl.ds(s * RPT, RPT)])

    @pl.when(jnp.logical_and(c == 0, s == 15))
    def _():
        pltpu.sync_copy(acc.at[pl.ds(15 * RPT, tail)], out0.at[pl.ds(15 * RPT, tail)])

    @pl.when(jnp.logical_and(c == 1, s < 15))
    def _():
        pltpu.sync_copy(acc.at[pl.ds(s * RPT, RPT)], out1.at[pl.ds(s * RPT, RPT)])

    @pl.when(jnp.logical_and(c == 1, s == 15))
    def _():
        pltpu.sync_copy(acc.at[pl.ds(15 * RPT, tail)], out1.at[pl.ds(15 * RPT, tail)])


_agg_kernel = pl.kernel(
    _agg_body,
    out_type=(
        jax.ShapeDtypeStruct((N, D), _f32),
        jax.ShapeDtypeStruct((N, D), _f32),
    ),
    mesh=_sc_mesh,
    scratch_types=[
        pltpu.VMEM((NCH, CK), jnp.int32),
        pltpu.VMEM((CK,), jnp.int32),
        pltpu.VMEM((CK,), jnp.int32),
        pltpu.VMEM((CK, D), _f32),
        pltpu.VMEM((CK, D), _f32),
        pltpu.VMEM_SHARED((NPAD, D), _f32),
        pltpu.SemaphoreType.DMA,
        pltpu.SemaphoreType.DMA,
        pltpu.SemaphoreType.DMA,
        pltpu.SemaphoreType.DMA,
    ],
)


RB = 2000


def _k2_body(d0_ref, d1_ref, x_ref, w1_ref, g1_ref, dis_ref):
    deg = d0_ref[...] + d1_ref[...] + 1.0
    dis = lax.rsqrt(deg)
    h = jnp.dot(x_ref[...], w1_ref[...], preferred_element_type=_f32)
    g1_ref[...] = h * dis
    dis_ref[...] = dis


_k2 = pl.pallas_call(
    _k2_body,
    grid=(N // RB,),
    in_specs=[
        pl.BlockSpec((RB, 1), lambda i: (i, 0)),
        pl.BlockSpec((RB, 1), lambda i: (i, 0)),
        pl.BlockSpec((RB, D), lambda i: (i, 0)),
        pl.BlockSpec((D, D), lambda i: (0, 0)),
    ],
    out_specs=[
        pl.BlockSpec((RB, D), lambda i: (i, 0)),
        pl.BlockSpec((RB, 1), lambda i: (i, 0)),
    ],
    out_shape=[
        jax.ShapeDtypeStruct((N, D), _f32),
        jax.ShapeDtypeStruct((N, 1), _f32),
    ],
)


def _k4_body(a0_ref, a1_ref, g1_ref, dis_ref, b1_ref, u_ref, stats_ref, acc):
    i = pl.program_id(0)
    u = (a0_ref[...] + a1_ref[...] + g1_ref[...]) * dis_ref[...] + b1_ref[...]
    u_ref[...] = u

    @pl.when(i == 0)
    def _():
        acc[...] = jnp.zeros_like(acc)

    ssum = jnp.sum(u, axis=0, keepdims=True)
    ssq = jnp.sum(u * u, axis=0, keepdims=True)
    acc[...] += jnp.concatenate([ssum, ssq], axis=0)
    stats_ref[...] = acc[...]


_k4 = pl.pallas_call(
    _k4_body,
    grid=(N // RB,),
    in_specs=[
        pl.BlockSpec((RB, D), lambda i: (i, 0)),
        pl.BlockSpec((RB, D), lambda i: (i, 0)),
        pl.BlockSpec((RB, D), lambda i: (i, 0)),
        pl.BlockSpec((RB, 1), lambda i: (i, 0)),
        pl.BlockSpec((1, D), lambda i: (0, 0)),
    ],
    out_specs=[
        pl.BlockSpec((RB, D), lambda i: (i, 0)),
        pl.BlockSpec((2, D), lambda i: (0, 0)),
    ],
    out_shape=[
        jax.ShapeDtypeStruct((N, D), _f32),
        jax.ShapeDtypeStruct((2, D), _f32),
    ],
    scratch_shapes=[pltpu.VMEM((2, D), _f32)],
)


def _k5_body(u_ref, stats_ref, x_ref, dis_ref, gamma_ref, beta_ref, w2_ref, g2_ref):
    inv_n = 1.0 / N
    mean = stats_ref[0:1, :] * inv_n
    var = stats_ref[1:2, :] * inv_n - mean * mean
    inv = lax.rsqrt(var + 1e-5)
    bn = (u_ref[...] - mean) * (inv * gamma_ref[...]) + beta_ref[...]
    r = jnp.maximum(bn, 0.0) + x_ref[...]
    h2 = jnp.dot(r, w2_ref[...], preferred_element_type=_f32)
    g2_ref[...] = h2 * dis_ref[...]


_k5 = pl.pallas_call(
    _k5_body,
    grid=(N // RB,),
    in_specs=[
        pl.BlockSpec((RB, D), lambda i: (i, 0)),
        pl.BlockSpec((2, D), lambda i: (0, 0)),
        pl.BlockSpec((RB, D), lambda i: (i, 0)),
        pl.BlockSpec((RB, 1), lambda i: (i, 0)),
        pl.BlockSpec((1, D), lambda i: (0, 0)),
        pl.BlockSpec((1, D), lambda i: (0, 0)),
        pl.BlockSpec((D, D), lambda i: (0, 0)),
    ],
    out_specs=pl.BlockSpec((RB, D), lambda i: (i, 0)),
    out_shape=jax.ShapeDtypeStruct((N, D), _f32),
)


def _k7_body(a0_ref, a1_ref, g2_ref, dis_ref, b2_ref, out_ref):
    out_ref[...] = (a0_ref[...] + a1_ref[...] + g2_ref[...]) * dis_ref[...] + b2_ref[...]


_k7 = pl.pallas_call(
    _k7_body,
    grid=(N // RB,),
    in_specs=[
        pl.BlockSpec((RB, D), lambda i: (i, 0)),
        pl.BlockSpec((RB, D), lambda i: (i, 0)),
        pl.BlockSpec((RB, D), lambda i: (i, 0)),
        pl.BlockSpec((RB, 1), lambda i: (i, 0)),
        pl.BlockSpec((1, D), lambda i: (0, 0)),
    ],
    out_specs=pl.BlockSpec((RB, D), lambda i: (i, 0)),
    out_shape=jax.ShapeDtypeStruct((N, D), _f32),
)


def kernel(x, edge_index, W1, b1, gamma1, beta1, W2, b2):
    src = edge_index[0]
    dst = edge_index[1]
    pad = EPAD - E
    dummy_dst = N + jnp.arange(pad, dtype=jnp.int32) % (NPAD - N)
    dummy_src = jnp.arange(pad, dtype=jnp.int32) % N
    src_p2 = jnp.concatenate([src, dummy_src]).reshape(EPAD // CK, CK)
    dst_p1 = jnp.concatenate([dst, dummy_dst])
    dst_p2 = dst_p1.reshape(EPAD // CK, CK)
    d0, d1 = _deg_kernel(dst_p2)
    d0 = d0[:N].reshape(N, 1)
    d1 = d1[:N].reshape(N, 1)
    g1, dis = _k2(d0, d1, x, W1)
    a0, a1 = _agg_kernel(g1, src_p2, dst_p1)
    u, stats = _k4(a0, a1, g1, dis, b1.reshape(1, D))
    g2 = _k5(u, stats, x, dis, gamma1.reshape(1, D), beta1.reshape(1, D), W2)
    p0, p1 = _agg_kernel(g2, src_p2, dst_p1)
    out = _k7(p0, p1, g2, dis, b2.reshape(1, D))
    return out

# --- scband reference (transcript-rebuilt; emitter-appended) ---
"""Pipeline reference for scband-gcnencoder-36017595744478 (READ-ONLY COPY).

The authoritative reference and input builder live on the scoring server;
editing this copy changes nothing except your own understanding.
"""

import jax, jax.numpy as jnp
import numpy as np

N = 10000
E = 320000
D = 128


def setup_inputs(seed: int = 0) -> dict:
    key = jax.random.key(seed)
    ks = jax.random.split(key, 10)
    x = jax.random.normal(ks[0], (N, D), dtype=jnp.float32)
    edge_index = jax.random.randint(ks[1], (2, E), 0, N, dtype=jnp.int32)
    scale = 1.0 / np.sqrt(D)
    W1 = jax.random.uniform(ks[2], (D, D), dtype=jnp.float32, minval=-scale, maxval=scale)
    b1 = jnp.zeros((D,), dtype=jnp.float32)
    gamma1 = jnp.ones((D,), dtype=jnp.float32)
    beta1 = jnp.zeros((D,), dtype=jnp.float32)
    W2 = jax.random.uniform(ks[3], (D, D), dtype=jnp.float32, minval=-scale, maxval=scale)
    b2 = jnp.zeros((D,), dtype=jnp.float32)
    return {"x": x, "edge_index": edge_index, "W1": W1, "b1": b1,
            "gamma1": gamma1, "beta1": beta1, "W2": W2, "b2": b2}


def gcn_conv(x, src, dst, W, b):
    # GCNConv: x' = D^{-1/2} (A + I) D^{-1/2} (X W) + b
    n = x.shape[0]
    loop = jnp.arange(n, dtype=src.dtype)
    s = jnp.concatenate([src, loop])
    d = jnp.concatenate([dst, loop])
    deg = jnp.zeros((n,), dtype=x.dtype).at[d].add(1.0)
    dis = jnp.where(deg > 0, jax.lax.rsqrt(deg), 0.0)
    norm = dis[s] * dis[d]
    h = x @ W
    msg = h[s] * norm[:, None]
    out = jnp.zeros((n, h.shape[1]), dtype=x.dtype).at[d].add(msg)
    return out + b


def batch_norm(h, gamma, beta, eps=1e-5):
    mean = jnp.mean(h, axis=0)
    var = jnp.var(h, axis=0)
    return (h - mean) * jax.lax.rsqrt(var + eps) * gamma + beta


def reference(x, edge_index, W1, b1, gamma1, beta1, W2, b2):
    src, dst = edge_index[0], edge_index[1]
    h = gcn_conv(x, src, dst, W1, b1)
    h = batch_norm(h, gamma1, beta1)
    h = jax.nn.relu(h)
    # dropout is identity in eval mode
    h = h + x  # residual (hidden_channels == in_channels)
    out = gcn_conv(h, src, dst, W2, b2)
    return out

if __name__ == "__main__":
    import jax
    _d = setup_inputs()
    print(jax.jit(kernel)(*tuple(_d.values())))

</pallas_src>

<mosaic_0001>
#map = affine_map<(d0, d1) -> (0, 0)>
#map1 = affine_map<(d0, d1) -> (0)>
module attributes {stable_mosaic.version = 14 : i64} {
  func.func @_deg_body(%arg0: i32, %arg1: i32, %arg2: memref<2560x128xi32, #tpu.memory_space<hbm>>, %arg3: memref<10240xf32, #tpu.memory_space<hbm>>, %arg4: memref<10240xf32, #tpu.memory_space<hbm>>, %arg5: memref<640xf32, #tpu.memory_space<vmem>>, %arg6: memref<80x128xi32, #tpu.memory_space<vmem>>, %arg7: memref<128xf32, #tpu.memory_space<vmem>>, %arg8: memref<10240xf32, #tpu.memory_space<vmem_shared>>, %arg9: memref<!tpu.dma_semaphore, #tpu.memory_space<semaphore_mem>>) attributes {dimension_semantics = [#tpu.dimension_semantics<core_parallel>, #tpu.dimension_semantics<subcore_parallel>], iteration_bounds = array<i64: 2, 16>, scalar_prefetch = 0 : i64, scratch_operands = 5 : i64, tpu.core_type = #tpu.core_type<sc_vector_subcore>, window_params = [{transform_indices = #map}, {transform_indices = #map1}, {transform_indices = #map1}]} {
    %mul3A = arith.constant 16 : i32
    %mul3A_0 = arith.muli %arg0, %mul3A : i32
    %add3A = arith.addi %mul3A_0, %arg1 : i32
    %mul3A_1 = arith.constant 80 : i32
    %mul3A_2 = arith.muli %add3A, %mul3A_1 : i32
    "tpu.region"() ({
      %run_scoped3A = tpu.sem_alloc : memref<!tpu.dma_semaphore, #tpu.memory_space<semaphore_mem>>
      %dma_start3A = arith.constant 0 : i32
      %dma_start3A_69 = tpu.memref_slice %arg2[%mul3A_2, %dma_start3A] : memref<2560x128xi32, #tpu.memory_space<hbm>> -> memref<80x128xi32, #tpu.memory_space<hbm>>
      %dma_start3A_70 = arith.constant 0 : i32
      %dma_start3A_71 = tpu.memref_slice %arg2[%mul3A_2, %dma_start3A_70] : memref<2560x128xi32, #tpu.memory_space<hbm>> -> memref<80x128xi32, #tpu.memory_space<hbm>>
      tpu.enqueue_dma source(%dma_start3A_71 : memref<80x128xi32, #tpu.memory_space<hbm>>) target(%arg6 : memref<80x128xi32, #tpu.memory_space<vmem>>) target_semaphore(%run_scoped3A : memref<!tpu.dma_semaphore, #tpu.memory_space<semaphore_mem>>)
      %dma_wait3A = arith.constant 0 : i32
      %dma_wait3A_72 = tpu.memref_slice %arg2[%mul3A_2, %dma_wait3A] : memref<2560x128xi32, #tpu.memory_space<hbm>> -> memref<80x128xi32, #tpu.memory_space<hbm>>
      %dma_wait3A_73 = arith.constant 0 : i32
      %dma_wait3A_74 = tpu.memref_slice %arg2[%mul3A_2, %dma_wait3A_73] : memref<2560x128xi32, #tpu.memory_space<hbm>> -> memref<80x128xi32, #tpu.memory_space<hbm>>
      tpu.wait_dma2 semaphore(%run_scoped3A : memref<!tpu.dma_semaphore, #tpu.memory_space<semaphore_mem>>) src(%dma_wait3A_74 : memref<80x128xi32, #tpu.memory_space<hbm>>) dst(%arg6 : memref<80x128xi32, #tpu.memory_space<vmem>>)
      tpu.yield
    }) : () -> ()
    %broadcast_in_dim3A = arith.constant 0.000000e+00 : f32
    %broadcast_in_dim3A_3 = vector.broadcast %broadcast_in_dim3A : f32 to vector<16xf32>
    %scan3A = arith.constant 0 : i32
    %scan3A_4 = arith.constant 0 : i32
    %scan3A_5 = arith.constant 40 : i32
    %scan3A_6 = arith.addi %scan3A_4, %scan3A_5 : i32
    %scan3A_7 = arith.constant 1 : i32
    scf.for %scan3A_69 = %scan3A_4 to %scan3A_6 step %scan3A_7  : i32 {
      %mul3A_70 = arith.constant 16 : i32
      %mul3A_71 = arith.muli %scan3A_69, %mul3A_70 : i32
      %swap3A_72 = arith.index_cast %mul3A_71 : i32 to index
      %swap3A_73 = tpu.vector_load %arg5[%swap3A_72] {strides = array<i32>} : memref<640xf32, #tpu.memory_space<vmem>>, vector<16xf32>,
      %swap3A_74 = vector.shape_cast %swap3A_73 : vector<16xf32> to vector<16xf32>
      %swap3A_75 = vector.shape_cast %broadcast_in_dim3A_3 : vector<16xf32> to vector<16xf32>
      tpu.vector_store %arg5[%swap3A_72], %swap3A_75 {strides = array<i32>} : memref<640xf32, #tpu.memory_space<vmem>>, vector<16xf32>,
    }
    %scan3A_8 = arith.constant 40 : i32
    %broadcast_in_dim3A_9 = arith.constant 1.000000e+00 : f32
    %broadcast_in_dim3A_10 = vector.broadcast %broadcast_in_dim3A_9 : f32 to vector<16xf32>
    %swap3A = arith.constant 0 : index
    %swap3A_11 = tpu.vector_load %arg7[%swap3A] {strides = array<i32>} : memref<128xf32, #tpu.memory_space<vmem>>, vector<16xf32>,
    %swap3A_12 = vector.shape_cast %swap3A_11 : vector<16xf32> to vector<16xf32>
    %swap3A_13 = vector.shape_cast %broadcast_in_dim3A_10 : vector<16xf32> to vector<16xf32>
    tpu.vector_store %arg7[%swap3A], %swap3A_13 {strides = array<i32>} : memref<128xf32, #tpu.memory_space<vmem>>, vector<16xf32>,
    %swap3A_14 = arith.constant 16 : index
    %swap3A_15 = tpu.vector_load %arg7[%swap3A_14] {strides = array<i32>} : memref<128xf32, #tpu.memory_space<vmem>>, vector<16xf32>,
    %swap3A_16 = vector.shape_cast %swap3A_15 : vector<16xf32> to vector<16xf32>
    %swap3A_17 = vector.shape_cast %broadcast_in_dim3A_10 : vector<16xf32> to vector<16xf32>
    tpu.vector_store %arg7[%swap3A_14], %swap3A_17 {strides = array<i32>} : memref<128xf32, #tpu.memory_space<vmem>>, vector<16xf32>,
    %swap3A_18 = arith.constant 32 : index
    %swap3A_19 = tpu.vector_load %arg7[%swap3A_18] {strides = array<i32>} : memref<128xf32, #tpu.memory_space<vmem>>, vector<16xf32>,
    %swap3A_20 = vector.shape_cast %swap3A_19 : vector<16xf32> to vector<16xf32>
    %swap3A_21 = vector.shape_cast %broadcast_in_dim3A_10 : vector<16xf32> to vector<16xf32>
    tpu.vector_store %arg7[%swap3A_18], %swap3A_21 {strides = array<i32>} : memref<128xf32, #tpu.memory_space<vmem>>, vector<16xf32>,
    %swap3A_22 = arith.constant 48 : index
    %swap3A_23 = tpu.vector_load %arg7[%swap3A_22] {strides = array<i32>} : memref<128xf32, #tpu.memory_space<vmem>>, vector<16xf32>,
    %swap3A_24 = vector.shape_cast %swap3A_23 : vector<16xf32> to vector<16xf32>
    %swap3A_25 = vector.shape_cast %broadcast_in_dim3A_10 : vector<16xf32> to vector<16xf32>
    tpu.vector_store %arg7[%swap3A_22], %swap3A_25 {strides = array<i32>} : memref<128xf32, #tpu.memory_space<vmem>>, vector<16xf32>,
    %swap3A_26 = arith.constant 64 : index
    %swap3A_27 = tpu.vector_load %arg7[%swap3A_26] {strides = array<i32>} : memref<128xf32, #tpu.memory_space<vmem>>, vector<16xf32>,
    %swap3A_28 = vector.shape_cast %swap3A_27 : vector<16xf32> to vector<16xf32>
    %swap3A_29 = vector.shape_cast %broadcast_in_dim3A_10 : vector<16xf32> to vector<16xf32>
    tpu.vector_store %arg7[%swap3A_26], %swap3A_29 {strides = array<i32>} : memref<128xf32, #tpu.memory_space<vmem>>, vector<16xf32>,
    %swap3A_30 = arith.constant 80 : index
    %swap3A_31 = tpu.vector_load %arg7[%swap3A_30] {strides = array<i32>} : memref<128xf32, #tpu.memory_space<vmem>>, vector<16xf32>,
    %swap3A_32 = vector.shape_cast %swap3A_31 : vector<16xf32> to vector<16xf32>
    %swap3A_33 = vector.shape_cast %broadcast_in_dim3A_10 : vector<16xf32> to vector<16xf32>
    tpu.vector_store %arg7[%swap3A_30], %swap3A_33 {strides = array<i32>} : memref<128xf32, #tpu.memory_space<vmem>>, vector<16xf32>,
    %swap3A_34 = arith.constant 96 : index
    %swap3A_35 = tpu.vector_load %arg7[%swap3A_34] {strides = array<i32>} : memref<128xf32, #tpu.memory_space<vmem>>, vector<16xf32>,
    %swap3A_36 = vector.shape_cast %swap3A_35 : vector<16xf32> to vector<16xf32>
    %swap3A_37 = vector.shape_cast %broadcast_in_dim3A_10 : vector<16xf32> to vector<16xf32>
    tpu.vector_store %arg7[%swap3A_34], %swap3A_37 {strides = array<i32>} : memref<128xf32, #tpu.memory_space<vmem>>, vector<16xf32>,
    %swap3A_38 = arith.constant 112 : index
    %swap3A_39 = tpu.vector_load %arg7[%swap3A_38] {strides = array<i32>} : memref<128xf32, #tpu.memory_space<vmem>>, vector<16xf32>,
    %swap3A_40 = vector.shape_cast %swap3A_39 : vector<16xf32> to vector<16xf32>
    %swap3A_41 = vector.shape_cast %broadcast_in_dim3A_10 : vector<16xf32> to vector<16xf32>
    tpu.vector_store %arg7[%swap3A_38], %swap3A_41 {strides = array<i32>} : memref<128xf32, #tpu.memory_space<vmem>>, vector<16xf32>,
    %mul3A_42 = arith.constant 640 : i32
    %mul3A_43 = arith.muli %arg1, %mul3A_42 : i32
    "tpu.region"() ({
      %run_scoped3A = tpu.sem_alloc : memref<!tpu.dma_semaphore, #tpu.memory_space<semaphore_mem>>
      %dma_start3A = tpu.memref_slice %arg8[%mul3A_43] : memref<10240xf32, #tpu.memory_space<vmem_shared>> -> memref<640xf32, #tpu.memory_space<vmem_shared>>
      %dma_start3A_69 = tpu.memref_slice %arg8[%mul3A_43] : memref<10240xf32, #tpu.memory_space<vmem_shared>> -> memref<640xf32, #tpu.memory_space<vmem_shared>>
      tpu.enqueue_dma source(%arg5 : memref<640xf32, #tpu.memory_space<vmem>>) target(%dma_start3A_69 : memref<640xf32, #tpu.memory_space<vmem_shared>>) target_semaphore(%run_scoped3A : memref<!tpu.dma_semaphore, #tpu.memory_space<semaphore_mem>>)
      %dma_wait3A = tpu.memref_slice %arg8[%mul3A_43] : memref<10240xf32, #tpu.memory_space<vmem_shared>> -> memref<640xf32, #tpu.memory_space<vmem_shared>>
      %dma_wait3A_70 = tpu.memref_slice %arg8[%mul3A_43] : memref<10240xf32, #tpu.memory_space<vmem_shared>> -> memref<640xf32, #tpu.memory_space<vmem_shared>>
      tpu.wait_dma2 semaphore(%run_scoped3A : memref<!tpu.dma_semaphore, #tpu.memory_space<semaphore_mem>>) src(%arg5 : memref<640xf32, #tpu.memory_space<vmem>>) dst(%dma_wait3A_70 : memref<640xf32, #tpu.memory_space<vmem_shared>>)
      tpu.yield
    }) : () -> ()
    %barrier3A = arith.constant 0 : index
    tpu.barrier barrier_id(%barrier3A)
    %scan3A_44 = arith.constant 0 : i32
    %scan3A_45 = arith.constant 0 : i32
    %scan3A_46 = arith.constant 80 : i32
    %scan3A_47 = arith.addi %scan3A_45, %scan3A_46 : i32
    %scan3A_48 = arith.constant 1 : i32
    scf.for %scan3A_69 = %scan3A_45 to %scan3A_47 step %scan3A_48  : i32 {
      %dma_start3A = arith.constant 0 : i32
      %dma_start3A_70 = tpu.memref_slice %arg6[%scan3A_69, %dma_start3A] : memref<80x128xi32, #tpu.memory_space<vmem>> -> memref<1x128xi32, #tpu.memory_space<vmem>>
      %dma_start3A_71 = tpu.memref_squeeze %dma_start3A_70 : memref<1x128xi32, #tpu.memory_space<vmem>> -> memref<128xi32, #tpu.memory_space<vmem>>
      %dma_start3A_72 = arith.constant 0 : i32
      %dma_start3A_73 = tpu.memref_slice %arg8[%dma_start3A_72] : memref<10240xf32, #tpu.memory_space<vmem_shared>> -> memref<10240xf32, #tpu.memory_space<vmem_shared>>
      tpu.enqueue_indirect_dma source(%arg7 : memref<128xf32, #tpu.memory_space<vmem>>) target(%dma_start3A_73 : memref<10240xf32, #tpu.memory_space<vmem_shared>>) offsets(%dma_start3A_71 : memref<128xi32, #tpu.memory_space<vmem>>) semaphore(%arg9 : memref<!tpu.dma_semaphore, #tpu.memory_space<semaphore_mem>>) {add = true}
    }
    %scan3A_49 = arith.constant 80 : i32
    %scan3A_50 = arith.constant 0 : i32
    %scan3A_51 = arith.constant 0 : i32
    %scan3A_52 = arith.constant 80 : i32
    %scan3A_53 = arith.addi %scan3A_51, %scan3A_52 : i32
    %scan3A_54 = arith.constant 1 : i32
    scf.for %scan3A_69 = %scan3A_51 to %scan3A_53 step %scan3A_54  : i32 {
      %dma_wait3A = arith.constant 0 : i32
      %dma_wait3A_70 = tpu.memref_slice %arg6[%scan3A_69, %dma_wait3A] : memref<80x128xi32, #tpu.memory_space<vmem>> -> memref<1x128xi32, #tpu.memory_space<vmem>>
      %dma_wait3A_71 = tpu.memref_squeeze %dma_wait3A_70 : memref<1x128xi32, #tpu.memory_space<vmem>> -> memref<128xi32, #tpu.memory_space<vmem>>
      %dma_wait3A_72 = arith.constant 0 : i32
      %dma_wait3A_73 = tpu.memref_slice %arg8[%dma_wait3A_72] : memref<10240xf32, #tpu.memory_space<vmem_shared>> -> memref<10240xf32, #tpu.memory_space<vmem_shared>>
      tpu.wait_indirect_dma semaphore(%arg9 : memref<!tpu.dma_semaphore, #tpu.memory_space<semaphore_mem>>) src(%arg7 : memref<128xf32, #tpu.memory_space<vmem>>) dst(%dma_wait3A_73 : memref<10240xf32, #tpu.memory_space<vmem_shared>>)
    }
    %scan3A_55 = arith.constant 80 : i32
    %barrier3A_56 = arith.constant 0 : index
    tpu.barrier barrier_id(%barrier3A_56)
    %eq3A = arith.constant 0 : i32
    %eq3A_57 = arith.cmpi eq, %arg0, %eq3A : i32
    %eq3A_58 = arith.constant 0 : i32
    %eq3A_59 = arith.cmpi eq, %arg1, %eq3A_58 : i32
    %and3A = arith.andi %eq3A_57, %eq3A_59 : i1
    %convert_element_type3A = arith.extui %and3A : i1 to i32
    %cond3A = arith.constant 0 : i32
    %cond3A_60 = arith.cmpi ne, %convert_element_type3A, %cond3A : i32
    scf.if %cond3A_60 {
      "tpu.region"() ({
        %run_scoped3A = tpu.sem_alloc : memref<!tpu.dma_semaphore, #tpu.memory_space<semaphore_mem>>
        tpu.enqueue_dma source(%arg8 : memref<10240xf32, #tpu.memory_space<vmem_shared>>) target(%arg3 : memref<10240xf32, #tpu.memory_space<hbm>>) target_semaphore(%run_scoped3A : memref<!tpu.dma_semaphore, #tpu.memory_space<semaphore_mem>>)
        tpu.wait_dma2 semaphore(%run_scoped3A : memref<!tpu.dma_semaphore, #tpu.memory_space<semaphore_mem>>) src(%arg8 : memref<10240xf32, #tpu.memory_space<vmem_shared>>) dst(%arg3 : memref<10240xf32, #tpu.memory_space<hbm>>)
        tpu.yield
      }) : () -> ()
    } else {
    }
    %eq3A_61 = arith.constant 1 : i32
    %eq3A_62 = arith.cmpi eq, %arg0, %eq3A_61 : i32
    %eq3A_63 = arith.constant 0 : i32
    %eq3A_64 = arith.cmpi eq, %arg1, %eq3A_63 : i32
    %and3A_65 = arith.andi %eq3A_62, %eq3A_64 : i1
    %convert_element_type3A_66 = arith.extui %and3A_65 : i1 to i32
    %cond3A_67 = arith.constant 0 : i32
    %cond3A_68 = arith.cmpi ne, %convert_element_type3A_66, %cond3A_67 : i32
    scf.if %cond3A_68 {
      "tpu.region"() ({
        %run_scoped3A = tpu.sem_alloc : memref<!tpu.dma_semaphore, #tpu.memory_space<semaphore_mem>>
        tpu.enqueue_dma source(%arg8 : memref<10240xf32, #tpu.memory_space<vmem_shared>>) target(%arg4 : memref<10240xf32, #tpu.memory_space<hbm>>) target_semaphore(%run_scoped3A : memref<!tpu.dma_semaphore, #tpu.memory_space<semaphore_mem>>)
        tpu.wait_dma2 semaphore(%run_scoped3A : memref<!tpu.dma_semaphore, #tpu.memory_space<semaphore_mem>>) src(%arg8 : memref<10240xf32, #tpu.memory_space<vmem_shared>>) dst(%arg4 : memref<10240xf32, #tpu.memory_space<hbm>>)
        tpu.yield
      }) : () -> ()
    } else {
    }
    return
  }
}

#map = affine_map<(d0, d1) -> (0, 0)>
#map1 = affine_map<(d0, d1) -> (0)>
module attributes {stable_mosaic.version = 14 : i64} {
  func.func @_agg_body(%arg0: i32, %arg1: i32, %arg2: memref<10000x128xf32, #tpu.memory_space<hbm>>, %arg3: memref<2560x128xi32, #tpu.memory_space<hbm>>, %arg4: memref<327680xi32, #tpu.memory_space<hbm>>, %arg5: memref<10000x128xf32, #tpu.memory_space<hbm>>, %arg6: memref<10000x128xf32, #tpu.memory_space<hbm>>, %arg7: memref<80x128xi32, #tpu.memory_space<vmem>>, %arg8: memref<128xi32, #tpu.memory_space<vmem>>, %arg9: memref<128xi32, #tpu.memory_space<vmem>>, %arg10: memref<128x128xf32, #tpu.memory_space<vmem>>, %arg11: memref<128x128xf32, #tpu.memory_space<vmem>>, %arg12: memref<10240x128xf32, #tpu.memory_space<vmem_shared>>, %arg13: memref<!tpu.dma_semaphore, #tpu.memory_space<semaphore_mem>>, %arg14: memref<!tpu.dma_semaphore, #tpu.memory_space<semaphore_mem>>, %arg15: memref<!tpu.dma_semaphore, #tpu.memory_space<semaphore_mem>>, %arg16: memref<!tpu.dma_semaphore, #tpu.memory_space<semaphore_mem>>) attributes {dimension_semantics = [#tpu.dimension_semantics<core_parallel>, #tpu.dimension_semantics<subcore_parallel>], iteration_bounds = array<i64: 2, 16>, scalar_prefetch = 0 : i64, scratch_operands = 10 : i64, tpu.core_type = #tpu.core_type<sc_vector_subcore>, window_params = [{transform_indices = #map}, {transform_indices = #map}, {transform_indices = #map1}, {transform_indices = #map}, {transform_indices = #map}]} {
    %mul3A = arith.constant 16 : i32
    %mul3A_0 = arith.muli %arg0, %mul3A : i32
    %add3A = arith.addi %mul3A_0, %arg1 : i32
    %mul3A_1 = arith.constant 80 : i32
    %mul3A_2 = arith.muli %add3A, %mul3A_1 : i32
    %mul3A_3 = arith.constant 128 : i32
    %mul3A_4 = arith.muli %mul3A_2, %mul3A_3 : i32
    "tpu.region"() ({
      %run_scoped3A = tpu.sem_alloc : memref<!tpu.dma_semaphore, #tpu.memory_space<semaphore_mem>>
      %dma_start3A_84 = arith.constant 0 : i32
      %dma_start3A_85 = tpu.memref_slice %arg3[%mul3A_2, %dma_start3A_84] : memref<2560x128xi32, #tpu.memory_space<hbm>> -> memref<80x128xi32, #tpu.memory_space<hbm>>
      %dma_start3A_86 = arith.constant 0 : i32
      %dma_start3A_87 = tpu.memref_slice %arg3[%mul3A_2, %dma_start3A_86] : memref<2560x128xi32, #tpu.memory_space<hbm>> -> memref<80x128xi32, #tpu.memory_space<hbm>>
      tpu.enqueue_dma source(%dma_start3A_87 : memref<80x128xi32, #tpu.memory_space<hbm>>) target(%arg7 : memref<80x128xi32, #tpu.memory_space<vmem>>) target_semaphore(%run_scoped3A : memref<!tpu.dma_semaphore, #tpu.memory_space<semaphore_mem>>)
      %dma_wait3A = arith.constant 0 : i32
      %dma_wait3A_88 = tpu.memref_slice %arg3[%mul3A_2, %dma_wait3A] : memref<2560x128xi32, #tpu.memory_space<hbm>> -> memref<80x128xi32, #tpu.memory_space<hbm>>
      %dma_wait3A_89 = arith.constant 0 : i32
      %dma_wait3A_90 = tpu.memref_slice %arg3[%mul3A_2, %dma_wait3A_89] : memref<2560x128xi32, #tpu.memory_space<hbm>> -> memref<80x128xi32, #tpu.memory_space<hbm>>
      tpu.wait_dma2 semaphore(%run_scoped3A : memref<!tpu.dma_semaphore, #tpu.memory_space<semaphore_mem>>) src(%dma_wait3A_90 : memref<80x128xi32, #tpu.memory_space<hbm>>) dst(%arg7 : memref<80x128xi32, #tpu.memory_space<vmem>>)
      tpu.yield
    }) : () -> ()
    %broadcast_in_dim3A = arith.constant 0.000000e+00 : f32
    %broadcast_in_dim3A_5 = vector.broadcast %broadcast_in_dim3A : f32 to vector<16xf32>
    %scan3A = arith.constant 0 : i32
    %scan3A_6 = arith.constant 0 : i32
    %scan3A_7 = arith.constant 1024 : i32
    %scan3A_8 = arith.addi %scan3A_6, %scan3A_7 : i32
    %scan3A_9 = arith.constant 1 : i32
    scf.for %scan3A_84 = %scan3A_6 to %scan3A_8 step %scan3A_9  : i32 {
      %jit3A = arith.constant 8 : i32
      %div3A = arith.divsi %scan3A_84, %jit3A : i32
      %sign3A = arith.constant 0 : i32
      %sign3A_85 = arith.cmpi sgt, %scan3A_84, %sign3A : i32
      %sign3A_86 = arith.extui %sign3A_85 : i1 to i32
      %sign3A_87 = arith.constant 0 : i32
      %sign3A_88 = arith.cmpi slt, %scan3A_84, %sign3A_87 : i32
      %sign3A_89 = arith.extui %sign3A_88 : i1 to i32
      %sign3A_90 = arith.subi %sign3A_86, %sign3A_89 : i32
      %sign3A_91 = arith.constant 0 : i32
      %sign3A_92 = arith.cmpi sgt, %jit3A, %sign3A_91 : i32
      %sign3A_93 = arith.extui %sign3A_92 : i1 to i32
      %sign3A_94 = arith.constant 0 : i32
      %sign3A_95 = arith.cmpi slt, %jit3A, %sign3A_94 : i32
      %sign3A_96 = arith.extui %sign3A_95 : i1 to i32
      %sign3A_97 = arith.subi %sign3A_93, %sign3A_96 : i32
      %ne3A = arith.cmpi ne, %sign3A_90, %sign3A_97 : i32
      %rem3A = arith.remsi %scan3A_84, %jit3A : i32
      %ne3A_98 = arith.constant 0 : i32
      %ne3A_99 = arith.cmpi ne, %rem3A, %ne3A_98 : i32
      %and3A_100 = arith.andi %ne3A, %ne3A_99 : i1
      %sub3A = arith.constant 1 : i32
      %sub3A_101 = arith.subi %div3A, %sub3A : i32
      %select_n3A = arith.select %and3A_100, %sub3A_101, %div3A : i32
      %mul3A_102 = arith.constant 8 : i32
      %mul3A_103 = arith.muli %select_n3A, %mul3A_102 : i32
      %sub3A_104 = arith.subi %scan3A_84, %mul3A_103 : i32
      %mul3A_105 = arith.constant 16 : i32
      %mul3A_106 = arith.muli %sub3A_104, %mul3A_105 : i32
      %swap3A = arith.index_cast %select_n3A : i32 to index
      %swap3A_107 = arith.index_cast %mul3A_106 : i32 to index
      %swap3A_108 = tpu.vector_load %arg10[%swap3A, %swap3A_107] {strides = array<i32>} : memref<128x128xf32, #tpu.memory_space<vmem>>, vector<1x16xf32>,
      %swap3A_109 = vector.shape_cast %swap3A_108 : vector<1x16xf32> to vector<16xf32>
      %swap3A_110 = vector.shape_cast %broadcast_in_dim3A_5 : vector<16xf32> to vector<1x16xf32>
      tpu.vector_store %arg10[%swap3A, %swap3A_107], %swap3A_110 {strides = array<i32>} : memref<128x128xf32, #tpu.memory_space<vmem>>, vector<1x16xf32>,
    }
    %scan3A_10 = arith.constant 1024 : i32
    %mul3A_11 = arith.constant 640 : i32
    %mul3A_12 = arith.muli %arg1, %mul3A_11 : i32
    %add3A_13 = arith.constant 0 : i32
    %add3A_14 = arith.addi %mul3A_12, %add3A_13 : i32
    "tpu.region"() ({
      %run_scoped3A = tpu.sem_alloc : memref<!tpu.dma_semaphore, #tpu.memory_space<semaphore_mem>>
      %dma_start3A_84 = arith.constant 0 : i32
      %dma_start3A_85 = tpu.memref_slice %arg12[%add3A_14, %dma_start3A_84] : memref<10240x128xf32, #tpu.memory_space<vmem_shared>> -> memref<128x128xf32, #tpu.memory_space<vmem_shared>>
      %dma_start3A_86 = arith.constant 0 : i32
      %dma_start3A_87 = tpu.memref_slice %arg12[%add3A_14, %dma_start3A_86] : memref<10240x128xf32, #tpu.memory_space<vmem_shared>> -> memref<128x128xf32, #tpu.memory_space<vmem_shared>>
      tpu.enqueue_dma source(%arg10 : memref<128x128xf32, #tpu.memory_space<vmem>>) target(%dma_start3A_87 : memref<128x128xf32, #tpu.memory_space<vmem_shared>>) target_semaphore(%run_scoped3A : memref<!tpu.dma_semaphore, #tpu.memory_space<semaphore_mem>>)
      %dma_wait3A = arith.constant 0 : i32
      %dma_wait3A_88 = tpu.memref_slice %arg12[%add3A_14, %dma_wait3A] : memref<10240x128xf32, #tpu.memory_space<vmem_shared>> -> memref<128x128xf32, #tpu.memory_space<vmem_shared>>
      %dma_wait3A_89 = arith.constant 0 : i32
      %dma_wait3A_90 = tpu.memref_slice %arg12[%add3A_14, %dma_wait3A_89] : memref<10240x128xf32, #tpu.memory_space<vmem_shared>> -> memref<128x128xf32, #tpu.memory_space<vmem_shared>>
      tpu.wait_dma2 semaphore(%run_scoped3A : memref<!tpu.dma_semaphore, #tpu.memory_space<semaphore_mem>>) src(%arg10 : memref<128x128xf32, #tpu.memory_space<vmem>>) dst(%dma_wait3A_90 : memref<128x128xf32, #tpu.memory_space<vmem_shared>>)
      tpu.yield
    }) : () -> ()
    %mul3A_15 = arith.constant 640 : i32
    %mul3A_16 = arith.muli %arg1, %mul3A_15 : i32
    %add3A_17 = arith.constant 128 : i32
    %add3A_18 = arith.addi %mul3A_16, %add3A_17 : i32
    "tpu.region"() ({
      %run_scoped3A = tpu.sem_alloc : memref<!tpu.dma_semaphore, #tpu.memory_space<semaphore_mem>>
      %dma_start3A_84 = arith.constant 0 : i32
      %dma_start3A_85 = tpu.memref_slice %arg12[%add3A_18, %dma_start3A_84] : memref<10240x128xf32, #tpu.memory_space<vmem_shared>> -> memref<128x128xf32, #tpu.memory_space<vmem_shared>>
      %dma_start3A_86 = arith.constant 0 : i32
      %dma_start3A_87 = tpu.memref_slice %arg12[%add3A_18, %dma_start3A_86] : memref<10240x128xf32, #tpu.memory_space<vmem_shared>> -> memref<128x128xf32, #tpu.memory_space<vmem_shared>>
      tpu.enqueue_dma source(%arg10 : memref<128x128xf32, #tpu.memory_space<vmem>>) target(%dma_start3A_87 : memref<128x128xf32, #tpu.memory_space<vmem_shared>>) target_semaphore(%run_scoped3A : memref<!tpu.dma_semaphore, #tpu.memory_space<semaphore_mem>>)
      %dma_wait3A = arith.constant 0 : i32
      %dma_wait3A_88 = tpu.memref_slice %arg12[%add3A_18, %dma_wait3A] : memref<10240x128xf32, #tpu.memory_space<vmem_shared>> -> memref<128x128xf32, #tpu.memory_space<vmem_shared>>
      %dma_wait3A_89 = arith.constant 0 : i32
      %dma_wait3A_90 = tpu.memref_slice %arg12[%add3A_18, %dma_wait3A_89] : memref<10240x128xf32, #tpu.memory_space<vmem_shared>> -> memref<128x128xf32, #tpu.memory_space<vmem_shared>>
      tpu.wait_dma2 semaphore(%run_scoped3A : memref<!tpu.dma_semaphore, #tpu.memory_space<semaphore_mem>>) src(%arg10 : memref<128x128xf32, #tpu.memory_space<vmem>>) dst(%dma_wait3A_90 : memref<128x128xf32, #tpu.memory_space<vmem_shared>>)
      tpu.yield
    }) : () -> ()
    %mul3A_19 = arith.constant 640 : i32
    %mul3A_20 = arith.muli %arg1, %mul3A_19 : i32
    %add3A_21 = arith.constant 256 : i32
    %add3A_22 = arith.addi %mul3A_20, %add3A_21 : i32
    "tpu.region"() ({
      %run_scoped3A = tpu.sem_alloc : memref<!tpu.dma_semaphore, #tpu.memory_space<semaphore_mem>>
      %dma_start3A_84 = arith.constant 0 : i32
      %dma_start3A_85 = tpu.memref_slice %arg12[%add3A_22, %dma_start3A_84] : memref<10240x128xf32, #tpu.memory_space<vmem_shared>> -> memref<128x128xf32, #tpu.memory_space<vmem_shared>>
      %dma_start3A_86 = arith.constant 0 : i32
      %dma_start3A_87 = tpu.memref_slice %arg12[%add3A_22, %dma_start3A_86] : memref<10240x128xf32, #tpu.memory_space<vmem_shared>> -> memref<128x128xf32, #tpu.memory_space<vmem_shared>>
      tpu.enqueue_dma source(%arg10 : memref<128x128xf32, #tpu.memory_space<vmem>>) target(%dma_start3A_87 : memref<128x128xf32, #tpu.memory_space<vmem_shared>>) target_semaphore(%run_scoped3A : memref<!tpu.dma_semaphore, #tpu.memory_space<semaphore_mem>>)
      %dma_wait3A = arith.constant 0 : i32
      %dma_wait3A_88 = tpu.memref_slice %arg12[%add3A_22, %dma_wait3A] : memref<10240x128xf32, #tpu.memory_space<vmem_shared>> -> memref<128x128xf32, #tpu.memory_space<vmem_shared>>
      %dma_wait3A_89 = arith.constant 0 : i32
      %dma_wait3A_90 = tpu.memref_slice %arg12[%add3A_22, %dma_wait3A_89] : memref<10240x128xf32, #tpu.memory_space<vmem_shared>> -> memref<128x128xf32, #tpu.memory_space<vmem_shared>>
      tpu.wait_dma2 semaphore(%run_scoped3A : memref<!tpu.dma_semaphore, #tpu.memory_space<semaphore_mem>>) src(%arg10 : memref<128x128xf32, #tpu.memory_space<vmem>>) dst(%dma_wait3A_90 : memref<128x128xf32, #tpu.memory_space<vmem_shared>>)
      tpu.yield
    }) : () -> ()
    %mul3A_23 = arith.constant 640 : i32
    %mul3A_24 = arith.muli %arg1, %mul3A_23 : i32
    %add3A_25 = arith.constant 384 : i32
    %add3A_26 = arith.addi %mul3A_24, %add3A_25 : i32
    "tpu.region"() ({
      %run_scoped3A = tpu.sem_alloc : memref<!tpu.dma_semaphore, #tpu.memory_space<semaphore_mem>>
      %dma_start3A_84 = arith.constant 0 : i32
      %dma_start3A_85 = tpu.memref_slice %arg12[%add3A_26, %dma_start3A_84] : memref<10240x128xf32, #tpu.memory_space<vmem_shared>> -> memref<128x128xf32, #tpu.memory_space<vmem_shared>>
      %dma_start3A_86 = arith.constant 0 : i32
      %dma_start3A_87 = tpu.memref_slice %arg12[%add3A_26, %dma_start3A_86] : memref<10240x128xf32, #tpu.memory_space<vmem_shared>> -> memref<128x128xf32, #tpu.memory_space<vmem_shared>>
      tpu.enqueue_dma source(%arg10 : memref<128x128xf32, #tpu.memory_space<vmem>>) target(%dma_start3A_87 : memref<128x128xf32, #tpu.memory_space<vmem_shared>>) target_semaphore(%run_scoped3A : memref<!tpu.dma_semaphore, #tpu.memory_space<semaphore_mem>>)
      %dma_wait3A = arith.constant 0 : i32
      %dma_wait3A_88 = tpu.memref_slice %arg12[%add3A_26, %dma_wait3A] : memref<10240x128xf32, #tpu.memory_space<vmem_shared>> -> memref<128x128xf32, #tpu.memory_space<vmem_shared>>
      %dma_wait3A_89 = arith.constant 0 : i32
      %dma_wait3A_90 = tpu.memref_slice %arg12[%add3A_26, %dma_wait3A_89] : memref<10240x128xf32, #tpu.memory_space<vmem_shared>> -> memref<128x128xf32, #tpu.memory_space<vmem_shared>>
      tpu.wait_dma2 semaphore(%run_scoped3A : memref<!tpu.dma_semaphore, #tpu.memory_space<semaphore_mem>>) src(%arg10 : memref<128x128xf32, #tpu.memory_space<vmem>>) dst(%dma_wait3A_90 : memref<128x128xf32, #tpu.memory_space<vmem_shared>>)
      tpu.yield
    }) : () -> ()
    %mul3A_27 = arith.constant 640 : i32
    %mul3A_28 = arith.muli %arg1, %mul3A_27 : i32
    %add3A_29 = arith.constant 512 : i32
    %add3A_30 = arith.addi %mul3A_28, %add3A_29 : i32
    "tpu.region"() ({
      %run_scoped3A = tpu.sem_alloc : memref<!tpu.dma_semaphore, #tpu.memory_space<semaphore_mem>>
      %dma_start3A_84 = arith.constant 0 : i32
      %dma_start3A_85 = tpu.memref_slice %arg12[%add3A_30, %dma_start3A_84] : memref<10240x128xf32, #tpu.memory_space<vmem_shared>> -> memref<128x128xf32, #tpu.memory_space<vmem_shared>>
      %dma_start3A_86 = arith.constant 0 : i32
      %dma_start3A_87 = tpu.memref_slice %arg12[%add3A_30, %dma_start3A_86] : memref<10240x128xf32, #tpu.memory_space<vmem_shared>> -> memref<128x128xf32, #tpu.memory_space<vmem_shared>>
      tpu.enqueue_dma source(%arg10 : memref<128x128xf32, #tpu.memory_space<vmem>>) target(%dma_start3A_87 : memref<128x128xf32, #tpu.memory_space<vmem_shared>>) target_semaphore(%run_scoped3A : memref<!tpu.dma_semaphore, #tpu.memory_space<semaphore_mem>>)
      %dma_wait3A = arith.constant 0 : i32
      %dma_wait3A_88 = tpu.memref_slice %arg12[%add3A_30, %dma_wait3A] : memref<10240x128xf32, #tpu.memory_space<vmem_shared>> -> memref<128x128xf32, #tpu.memory_space<vmem_shared>>
      %dma_wait3A_89 = arith.constant 0 : i32
      %dma_wait3A_90 = tpu.memref_slice %arg12[%add3A_30, %dma_wait3A_89] : memref<10240x128xf32, #tpu.memory_space<vmem_shared>> -> memref<128x128xf32, #tpu.memory_space<vmem_shared>>
      tpu.wait_dma2 semaphore(%run_scoped3A : memref<!tpu.dma_semaphore, #tpu.memory_space<semaphore_mem>>) src(%arg10 : memref<128x128xf32, #tpu.memory_space<vmem>>) dst(%dma_wait3A_90 : memref<128x128xf32, #tpu.memory_space<vmem_shared>>)
      tpu.yield
    }) : () -> ()
    %dma_start3A = tpu.memref_slice %arg4[%mul3A_4] : memref<327680xi32, #tpu.memory_space<hbm>> -> memref<128xi32, #tpu.memory_space<hbm>>
    %dma_start3A_31 = tpu.memref_slice %arg4[%mul3A_4] : memref<327680xi32, #tpu.memory_space<hbm>> -> memref<128xi32, #tpu.memory_space<hbm>>
    tpu.enqueue_dma source(%dma_start3A_31 : memref<128xi32, #tpu.memory_space<hbm>>) target(%arg8 : memref<128xi32, #tpu.memory_space<vmem>>) target_semaphore(%arg15 : memref<!tpu.dma_semaphore, #tpu.memory_space<semaphore_mem>>)
    %add3A_32 = arith.constant 128 : i32
    %add3A_33 = arith.addi %mul3A_4, %add3A_32 : i32
    %dma_start3A_34 = tpu.memref_slice %arg4[%add3A_33] : memref<327680xi32, #tpu.memory_space<hbm>> -> memref<128xi32, #tpu.memory_space<hbm>>
    %dma_start3A_35 = tpu.memref_slice %arg4[%add3A_33] : memref<327680xi32, #tpu.memory_space<hbm>> -> memref<128xi32, #tpu.memory_space<hbm>>
    tpu.enqueue_dma source(%dma_start3A_35 : memref<128xi32, #tpu.memory_space<hbm>>) target(%arg9 : memref<128xi32, #tpu.memory_space<vmem>>) target_semaphore(%arg16 : memref<!tpu.dma_semaphore, #tpu.memory_space<semaphore_mem>>)
    %dma_start3A_36 = arith.constant 0 : i32
    %dma_start3A_37 = arith.constant 0 : i32
    %dma_start3A_38 = tpu.memref_slice %arg7[%dma_start3A_36, %dma_start3A_37] : memref<80x128xi32, #tpu.memory_space<vmem>> -> memref<1x128xi32, #tpu.memory_space<vmem>>
    %dma_start3A_39 = tpu.memref_squeeze %dma_start3A_38 : memref<1x128xi32, #tpu.memory_space<vmem>> -> memref<128xi32, #tpu.memory_space<vmem>>
    %dma_start3A_40 = arith.constant 0 : i32
    %dma_start3A_41 = arith.constant 0 : i32
    %dma_start3A_42 = tpu.memref_slice %arg2[%dma_start3A_40, %dma_start3A_41] : memref<10000x128xf32, #tpu.memory_space<hbm>> -> memref<10000x128xf32, #tpu.memory_space<hbm>>
    tpu.enqueue_indirect_dma source(%dma_start3A_42 : memref<10000x128xf32, #tpu.memory_space<hbm>>) target(%arg10 : memref<128x128xf32, #tpu.memory_space<vmem>>) offsets(%dma_start3A_39 : memref<128xi32, #tpu.memory_space<vmem>>) semaphore(%arg13 : memref<!tpu.dma_semaphore, #tpu.memory_space<semaphore_mem>>)
    %dma_start3A_43 = arith.constant 1 : i32
    %dma_start3A_44 = arith.constant 0 : i32
    %dma_start3A_45 = tpu.memref_slice %arg7[%dma_start3A_43, %dma_start3A_44] : memref<80x128xi32, #tpu.memory_space<vmem>> -> memref<1x128xi32, #tpu.memory_space<vmem>>
    %dma_start3A_46 = tpu.memref_squeeze %dma_start3A_45 : memref<1x128xi32, #tpu.memory_space<vmem>> -> memref<128xi32, #tpu.memory_space<vmem>>
    %dma_start3A_47 = arith.constant 0 : i32
    %dma_start3A_48 = arith.constant 0 : i32
    %dma_start3A_49 = tpu.memref_slice %arg2[%dma_start3A_47, %dma_start3A_48] : memref<10000x128xf32, #tpu.memory_space<hbm>> -> memref<10000x128xf32, #tpu.memory_space<hbm>>
    tpu.enqueue_indirect_dma source(%dma_start3A_49 : memref<10000x128xf32, #tpu.memory_space<hbm>>) target(%arg11 : memref<128x128xf32, #tpu.memory_space<vmem>>) offsets(%dma_start3A_46 : memref<128xi32, #tpu.memory_space<vmem>>) semaphore(%arg14 : memref<!tpu.dma_semaphore, #tpu.memory_space<semaphore_mem>>)
    %barrier3A = arith.constant 0 : index
    tpu.barrier barrier_id(%barrier3A)
    %scan3A_50 = arith.constant 0 : i32
    %scan3A_51 = arith.constant 0 : i32
    %scan3A_52 = arith.constant 80 : i32
    %scan3A_53 = arith.addi %scan3A_51, %scan3A_52 : i32
    %scan3A_54 = arith.constant 1 : i32
    scf.for %scan3A_84 = %scan3A_51 to %scan3A_53 step %scan3A_54  : i32 {
      %rem3A = arith.constant 2 : i32
      %rem3A_85 = arith.remsi %scan3A_84, %rem3A : i32
      %eq3A_86 = arith.constant 0 : i32
      %eq3A_87 = arith.cmpi eq, %rem3A_85, %eq3A_86 : i32
      %convert_element_type3A_88 = arith.extui %eq3A_87 : i1 to i32
      %cond3A_89 = arith.constant 0 : i32
      %cond3A_90 = arith.cmpi ne, %convert_element_type3A_88, %cond3A_89 : i32
      scf.if %cond3A_90 {
        %mul3A_96 = arith.constant 128 : i32
        %mul3A_97 = arith.muli %scan3A_84, %mul3A_96 : i32
        %add3A_98 = arith.addi %mul3A_4, %mul3A_97 : i32
        %dma_wait3A = tpu.memref_slice %arg4[%add3A_98] : memref<327680xi32, #tpu.memory_space<hbm>> -> memref<128xi32, #tpu.memory_space<hbm>>
        %dma_wait3A_99 = tpu.memref_slice %arg4[%add3A_98] : memref<327680xi32, #tpu.memory_space<hbm>> -> memref<128xi32, #tpu.memory_space<hbm>>
        tpu.wait_dma2 semaphore(%arg15 : memref<!tpu.dma_semaphore, #tpu.memory_space<semaphore_mem>>) src(%dma_wait3A_99 : memref<128xi32, #tpu.memory_space<hbm>>) dst(%arg8 : memref<128xi32, #tpu.memory_space<vmem>>)
        %dma_wait3A_100 = arith.constant 0 : i32
        %dma_wait3A_101 = tpu.memref_slice %arg7[%scan3A_84, %dma_wait3A_100] : memref<80x128xi32, #tpu.memory_space<vmem>> -> memref<1x128xi32, #tpu.memory_space<vmem>>
        %dma_wait3A_102 = tpu.memref_squeeze %dma_wait3A_101 : memref<1x128xi32, #tpu.memory_space<vmem>> -> memref<128xi32, #tpu.memory_space<vmem>>
        %dma_wait3A_103 = arith.constant 0 : i32
        %dma_wait3A_104 = arith.constant 0 : i32
        %dma_wait3A_105 = tpu.memref_slice %arg2[%dma_wait3A_103, %dma_wait3A_104] : memref<10000x128xf32, #tpu.memory_space<hbm>> -> memref<10000x128xf32, #tpu.memory_space<hbm>>
        tpu.wait_indirect_dma semaphore(%arg13 : memref<!tpu.dma_semaphore, #tpu.memory_space<semaphore_mem>>) src(%dma_wait3A_105 : memref<10000x128xf32, #tpu.memory_space<hbm>>) dst(%arg10 : memref<128x128xf32, #tpu.memory_space<vmem>>)
        "tpu.region"() ({
          %run_scoped3A = tpu.sem_alloc : memref<!tpu.dma_semaphore, #tpu.memory_space<semaphore_mem>>
          %dma_start3A_113 = arith.constant 0 : i32
          %dma_start3A_114 = arith.constant 0 : i32
          %dma_start3A_115 = tpu.memref_slice %arg12[%dma_start3A_113, %dma_start3A_114] : memref<10240x128xf32, #tpu.memory_space<vmem_shared>> -> memref<10240x128xf32, #tpu.memory_space<vmem_shared>>
          tpu.enqueue_indirect_dma source(%arg10 : memref<128x128xf32, #tpu.memory_space<vmem>>) target(%dma_start3A_115 : memref<10240x128xf32, #tpu.memory_space<vmem_shared>>) offsets(%arg8 : memref<128xi32, #tpu.memory_space<vmem>>) semaphore(%run_scoped3A : memref<!tpu.dma_semaphore, #tpu.memory_space<semaphore_mem>>) {add = true}
          %dma_wait3A_116 = arith.constant 0 : i32
          %dma_wait3A_117 = arith.constant 0 : i32
          %dma_wait3A_118 = tpu.memref_slice %arg12[%dma_wait3A_116, %dma_wait3A_117] : memref<10240x128xf32, #tpu.memory_space<vmem_shared>> -> memref<10240x128xf32, #tpu.memory_space<vmem_shared>>
          tpu.wait_indirect_dma semaphore(%run_scoped3A : memref<!tpu.dma_semaphore, #tpu.memory_space<semaphore_mem>>) src(%arg10 : memref<128x128xf32, #tpu.memory_space<vmem>>) dst(%dma_wait3A_118 : memref<10240x128xf32, #tpu.memory_space<vmem_shared>>)
          tpu.yield
        }) : () -> ()
        %add3A_106 = arith.constant 2 : i32
        %add3A_107 = arith.addi %scan3A_84, %add3A_106 : i32
        %lt3A_108 = arith.constant 80 : i32
        %lt3A_109 = arith.cmpi slt, %add3A_107, %lt3A_108 : i32
        %convert_element_type3A_110 = arith.extui %lt3A_109 : i1 to i32
        %cond3A_111 = arith.constant 0 : i32
        %cond3A_112 = arith.cmpi ne, %convert_element_type3A_110, %cond3A_111 : i32
        scf.if %cond3A_112 {
          %add3A_113 = arith.constant 2 : i32
          %add3A_114 = arith.addi %scan3A_84, %add3A_113 : i32
          %mul3A_115 = arith.constant 128 : i32
          %mul3A_116 = arith.muli %add3A_114, %mul3A_115 : i32
          %add3A_117 = arith.addi %mul3A_4, %mul3A_116 : i32
          %dma_start3A_118 = tpu.memref_slice %arg4[%add3A_117] : memref<327680xi32, #tpu.memory_space<hbm>> -> memref<128xi32, #tpu.memory_space<hbm>>
          %dma_start3A_119 = tpu.memref_slice %arg4[%add3A_117] : memref<327680xi32, #tpu.memory_space<hbm>> -> memref<128xi32, #tpu.memory_space<hbm>>
          tpu.enqueue_dma source(%dma_start3A_119 : memref<128xi32, #tpu.memory_space<hbm>>) target(%arg8 : memref<128xi32, #tpu.memory_space<vmem>>) target_semaphore(%arg15 : memref<!tpu.dma_semaphore, #tpu.memory_space<semaphore_mem>>)
          %add3A_120 = arith.constant 2 : i32
          %add3A_121 = arith.addi %scan3A_84, %add3A_120 : i32
          %dma_start3A_122 = arith.constant 0 : i32
          %dma_start3A_123 = tpu.memref_slice %arg7[%add3A_121, %dma_start3A_122] : memref<80x128xi32, #tpu.memory_space<vmem>> -> memref<1x128xi32, #tpu.memory_space<vmem>>
          %dma_start3A_124 = tpu.memref_squeeze %dma_start3A_123 : memref<1x128xi32, #tpu.memory_space<vmem>> -> memref<128xi32, #tpu.memory_space<vmem>>
          %dma_start3A_125 = arith.constant 0 : i32
          %dma_start3A_126 = arith.constant 0 : i32
          %dma_start3A_127 = tpu.memref_slice %arg2[%dma_start3A_125, %dma_start3A_126] : memref<10000x128xf32, #tpu.memory_space<hbm>> -> memref<10000x128xf32, #tpu.memory_space<hbm>>
          tpu.enqueue_indirect_dma source(%dma_start3A_127 : memref<10000x128xf32, #tpu.memory_space<hbm>>) target(%arg10 : memref<128x128xf32, #tpu.memory_space<vmem>>) offsets(%dma_start3A_124 : memref<128xi32, #tpu.memory_space<vmem>>) semaphore(%arg13 : memref<!tpu.dma_semaphore, #tpu.memory_space<semaphore_mem>>)
        } else {
        }
      } else {
      }
      %eq3A_91 = arith.constant 1 : i32
      %eq3A_92 = arith.cmpi eq, %rem3A_85, %eq3A_91 : i32
      %convert_element_type3A_93 = arith.extui %eq3A_92 : i1 to i32
      %cond3A_94 = arith.constant 0 : i32
      %cond3A_95 = arith.cmpi ne, %convert_element_type3A_93, %cond3A_94 : i32
      scf.if %cond3A_95 {
        %mul3A_96 = arith.constant 128 : i32
        %mul3A_97 = arith.muli %scan3A_84, %mul3A_96 : i32
        %add3A_98 = arith.addi %mul3A_4, %mul3A_97 : i32
        %dma_wait3A = tpu.memref_slice %arg4[%add3A_98] : memref<327680xi32, #tpu.memory_space<hbm>> -> memref<128xi32, #tpu.memory_space<hbm>>
        %dma_wait3A_99 = tpu.memref_slice %arg4[%add3A_98] : memref<327680xi32, #tpu.memory_space<hbm>> -> memref<128xi32, #tpu.memory_space<hbm>>
        tpu.wait_dma2 semaphore(%arg16 : memref<!tpu.dma_semaphore, #tpu.memory_space<semaphore_mem>>) src(%dma_wait3A_99 : memref<128xi32, #tpu.memory_space<hbm>>) dst(%arg9 : memref<128xi32, #tpu.memory_space<vmem>>)
        %dma_wait3A_100 = arith.constant 0 : i32
        %dma_wait3A_101 = tpu.memref_slice %arg7[%scan3A_84, %dma_wait3A_100] : memref<80x128xi32, #tpu.memory_space<vmem>> -> memref<1x128xi32, #tpu.memory_space<vmem>>
        %dma_wait3A_102 = tpu.memref_squeeze %dma_wait3A_101 : memref<1x128xi32, #tpu.memory_space<vmem>> -> memref<128xi32, #tpu.memory_space<vmem>>
        %dma_wait3A_103 = arith.constant 0 : i32
        %dma_wait3A_104 = arith.constant 0 : i32
        %dma_wait3A_105 = tpu.memref_slice %arg2[%dma_wait3A_103, %dma_wait3A_104] : memref<10000x128xf32, #tpu.memory_space<hbm>> -> memref<10000x128xf32, #tpu.memory_space<hbm>>
        tpu.wait_indirect_dma semaphore(%arg14 : memref<!tpu.dma_semaphore, #tpu.memory_space<semaphore_mem>>) src(%dma_wait3A_105 : memref<10000x128xf32, #tpu.memory_space<hbm>>) dst(%arg11 : memref<128x128xf32, #tpu.memory_space<vmem>>)
        "tpu.region"() ({
          %run_scoped3A = tpu.sem_alloc : memref<!tpu.dma_semaphore, #tpu.memory_space<semaphore_mem>>
          %dma_start3A_113 = arith.constant 0 : i32
          %dma_start3A_114 = arith.constant 0 : i32
          %dma_start3A_115 = tpu.memref_slice %arg12[%dma_start3A_113, %dma_start3A_114] : memref<10240x128xf32, #tpu.memory_space<vmem_shared>> -> memref<10240x128xf32, #tpu.memory_space<vmem_shared>>
          tpu.enqueue_indirect_dma source(%arg11 : memref<128x128xf32, #tpu.memory_space<vmem>>) target(%dma_start3A_115 : memref<10240x128xf32, #tpu.memory_space<vmem_shared>>) offsets(%arg9 : memref<128xi32, #tpu.memory_space<vmem>>) semaphore(%run_scoped3A : memref<!tpu.dma_semaphore, #tpu.memory_space<semaphore_mem>>) {add = true}
          %dma_wait3A_116 = arith.constant 0 : i32
          %dma_wait3A_117 = arith.constant 0 : i32
          %dma_wait3A_118 = tpu.memref_slice %arg12[%dma_wait3A_116, %dma_wait3A_117] : memref<10240x128xf32, #tpu.memory_space<vmem_shared>> -> memref<10240x128xf32, #tpu.memory_space<vmem_shared>>
          tpu.wait_indirect_dma semaphore(%run_scoped3A : memref<!tpu.dma_semaphore, #tpu.memory_space<semaphore_mem>>) src(%arg11 : memref<128x128xf32, #tpu.memory_space<vmem>>) dst(%dma_wait3A_118 : memref<10240x128xf32, #tpu.memory_space<vmem_shared>>)
          tpu.yield
        }) : () -> ()
        %add3A_106 = arith.constant 2 : i32
        %add3A_107 = arith.addi %scan3A_84, %add3A_106 : i32
        %lt3A_108 = arith.constant 80 : i32
        %lt3A_109 = arith.cmpi slt, %add3A_107, %lt3A_108 : i32
        %convert_element_type3A_110 = arith.extui %lt3A_109 : i1 to i32
        %cond3A_111 = arith.constant 0 : i32
        %cond3A_112 = arith.cmpi ne, %convert_element_type3A_110, %cond3A_111 : i32
        scf.if %cond3A_112 {
          %add3A_113 = arith.constant 2 : i32
          %add3A_114 = arith.addi %scan3A_84, %add3A_113 : i32
          %mul3A_115 = arith.constant 128 : i32
          %mul3A_116 = arith.muli %add3A_114, %mul3A_115 : i32
          %add3A_117 = arith.addi %mul3A_4, %mul3A_116 : i32
          %dma_start3A_118 = tpu.memref_slice %arg4[%add3A_117] : memref<327680xi32, #tpu.memory_space<hbm>> -> memref<128xi32, #tpu.memory_space<hbm>>
          %dma_start3A_119 = tpu.memref_slice %arg4[%add3A_117] : memref<327680xi32, #tpu.memory_space<hbm>> -> memref<128xi32, #tpu.memory_space<hbm>>
          tpu.enqueue_dma source(%dma_start3A_119 : memref<128xi32, #tpu.memory_space<hbm>>) target(%arg9 : memref<128xi32, #tpu.memory_space<vmem>>) target_semaphore(%arg16 : memref<!tpu.dma_semaphore, #tpu.memory_space<semaphore_mem>>)
          %add3A_120 = arith.constant 2 : i32
          %add3A_121 = arith.addi %scan3A_84, %add3A_120 : i32
          %dma_start3A_122 = arith.constant 0 : i32
          %dma_start3A_123 = tpu.memref_slice %arg7[%add3A_121, %dma_start3A_122] : memref<80x128xi32, #tpu.memory_space<vmem>> -> memref<1x128xi32, #tpu.memory_space<vmem>>
          %dma_start3A_124 = tpu.memref_squeeze %dma_start3A_123 : memref<1x128xi32, #tpu.memory_space<vmem>> -> memref<128xi32, #tpu.memory_space<vmem>>
          %dma_start3A_125 = arith.constant 0 : i32
          %dma_start3A_126 = arith.constant 0 : i32
          %dma_start3A_127 = tpu.memref_slice %arg2[%dma_start3A_125, %dma_start3A_126] : memref<10000x128xf32, #tpu.memory_space<hbm>> -> memref<10000x128xf32, #tpu.memory_space<hbm>>
          tpu.enqueue_indirect_dma source(%dma_start3A_127 : memref<10000x128xf32, #tpu.memory_space<hbm>>) target(%arg11 : memref<128x128xf32, #tpu.memory_space<vmem>>) offsets(%dma_start3A_124 : memref<128xi32, #tpu.memory_space<vmem>>) semaphore(%arg14 : memref<!tpu.dma_semaphore, #tpu.memory_space<semaphore_mem>>)
        } else {
        }
      } else {
      }
    }
    %scan3A_55 = arith.constant 80 : i32
    %barrier3A_56 = arith.constant 0 : index
    tpu.barrier barrier_id(%barrier3A_56)
    %eq3A = arith.constant 0 : i32
    %eq3A_57 = arith.cmpi eq, %arg0, %eq3A : i32
    %lt3A = arith.constant 15 : i32
    %lt3A_58 = arith.cmpi slt, %arg1, %lt3A : i32
    %and3A = arith.andi %eq3A_57, %lt3A_58 : i1
    %convert_element_type3A = arith.extui %and3A : i1 to i32
    %cond3A = arith.constant 0 : i32
    %cond3A_59 = arith.cmpi ne, %convert_element_type3A, %cond3A : i32
    scf.if %cond3A_59 {
      %mul3A_84 = arith.constant 640 : i32
      %mul3A_85 = arith.muli %arg1, %mul3A_84 : i32
      %mul3A_86 = arith.constant 640 : i32
      %mul3A_87 = arith.muli %arg1, %mul3A_86 : i32
      "tpu.region"() ({
        %run_scoped3A = tpu.sem_alloc : memref<!tpu.dma_semaphore, #tpu.memory_space<semaphore_mem>>
        %dma_start3A_88 = arith.constant 0 : i32
        %dma_start3A_89 = tpu.memref_slice %arg5[%mul3A_87, %dma_start3A_88] : memref<10000x128xf32, #tpu.memory_space<hbm>> -> memref<640x128xf32, #tpu.memory_space<hbm>>
        %dma_start3A_90 = arith.constant 0 : i32
        %dma_start3A_91 = tpu.memref_slice %arg12[%mul3A_85, %dma_start3A_90] : memref<10240x128xf32, #tpu.memory_space<vmem_shared>> -> memref<640x128xf32, #tpu.memory_space<vmem_shared>>
        tpu.enqueue_dma source(%dma_start3A_91 : memref<640x128xf32, #tpu.memory_space<vmem_shared>>) target(%dma_start3A_89 : memref<640x128xf32, #tpu.memory_space<hbm>>) target_semaphore(%run_scoped3A : memref<!tpu.dma_semaphore, #tpu.memory_space<semaphore_mem>>)
        %dma_wait3A = arith.constant 0 : i32
        %dma_wait3A_92 = tpu.memref_slice %arg5[%mul3A_87, %dma_wait3A] : memref<10000x128xf32, #tpu.memory_space<hbm>> -> memref<640x128xf32, #tpu.memory_space<hbm>>
        %dma_wait3A_93 = arith.constant 0 : i32
        %dma_wait3A_94 = tpu.memref_slice %arg12[%mul3A_85, %dma_wait3A_93] : memref<10240x128xf32, #tpu.memory_space<vmem_shared>> -> memref<640x128xf32, #tpu.memory_space<vmem_shared>>
        tpu.wait_dma2 semaphore(%run_scoped3A : memref<!tpu.dma_semaphore, #tpu.memory_space<semaphore_mem>>) src(%dma_wait3A_94 : memref<640x128xf32, #tpu.memory_space<vmem_shared>>) dst(%dma_wait3A_92 : memref<640x128xf32, #tpu.memory_space<hbm>>)
        tpu.yield
      }) : () -> ()
    } else {
    }
    %eq3A_60 = arith.constant 0 : i32
    %eq3A_61 = arith.cmpi eq, %arg0, %eq3A_60 : i32
    %eq3A_62 = arith.constant 15 : i32
    %eq3A_63 = arith.cmpi eq, %arg1, %eq3A_62 : i32
    %and3A_64 = arith.andi %eq3A_61, %eq3A_63 : i1
    %convert_element_type3A_65 = arith.extui %and3A_64 : i1 to i32
    %cond3A_66 = arith.constant 0 : i32
    %cond3A_67 = arith.cmpi ne, %convert_element_type3A_65, %cond3A_66 : i32
    scf.if %cond3A_67 {
      "tpu.region"() ({
        %run_scoped3A = tpu.sem_alloc : memref<!tpu.dma_semaphore, #tpu.memory_space<semaphore_mem>>
        %dma_start3A_84 = arith.constant 9600 : i32
        %dma_start3A_85 = arith.constant 0 : i32
        %dma_start3A_86 = tpu.memref_slice %arg5[%dma_start3A_84, %dma_start3A_85] : memref<10000x128xf32, #tpu.memory_space<hbm>> -> memref<400x128xf32, #tpu.memory_space<hbm>>
        %dma_start3A_87 = arith.constant 9600 : i32
        %dma_start3A_88 = arith.constant 0 : i32
        %dma_start3A_89 = tpu.memref_slice %arg12[%dma_start3A_87, %dma_start3A_88] : memref<10240x128xf32, #tpu.memory_space<vmem_shared>> -> memref<400x128xf32, #tpu.memory_space<vmem_shared>>
        tpu.enqueue_dma source(%dma_start3A_89 : memref<400x128xf32, #tpu.memory_space<vmem_shared>>) target(%dma_start3A_86 : memref<400x128xf32, #tpu.memory_space<hbm>>) target_semaphore(%run_scoped3A : memref<!tpu.dma_semaphore, #tpu.memory_space<semaphore_mem>>)
        %dma_wait3A = arith.constant 9600 : i32
        %dma_wait3A_90 = arith.constant 0 : i32
        %dma_wait3A_91 = tpu.memref_slice %arg5[%dma_wait3A, %dma_wait3A_90] : memref<10000x128xf32, #tpu.memory_space<hbm>> -> memref<400x128xf32, #tpu.memory_space<hbm>>
        %dma_wait3A_92 = arith.constant 9600 : i32
        %dma_wait3A_93 = arith.constant 0 : i32
        %dma_wait3A_94 = tpu.memref_slice %arg12[%dma_wait3A_92, %dma_wait3A_93] : memref<10240x128xf32, #tpu.memory_space<vmem_shared>> -> memref<400x128xf32, #tpu.memory_space<vmem_shared>>
        tpu.wait_dma2 semaphore(%run_scoped3A : memref<!tpu.dma_semaphore, #tpu.memory_space<semaphore_mem>>) src(%dma_wait3A_94 : memref<400x128xf32, #tpu.memory_space<vmem_shared>>) dst(%dma_wait3A_91 : memref<400x128xf32, #tpu.memory_space<hbm>>)
        tpu.yield
      }) : () -> ()
    } else {
    }
    %eq3A_68 = arith.constant 1 : i32
    %eq3A_69 = arith.cmpi eq, %arg0, %eq3A_68 : i32
    %lt3A_70 = arith.constant 15 : i32
    %lt3A_71 = arith.cmpi slt, %arg1, %lt3A_70 : i32
    %and3A_72 = arith.andi %eq3A_69, %lt3A_71 : i1
    %convert_element_type3A_73 = arith.extui %and3A_72 : i1 to i32
    %cond3A_74 = arith.constant 0 : i32
    %cond3A_75 = arith.cmpi ne, %convert_element_type3A_73, %cond3A_74 : i32
    scf.if %cond3A_75 {
      %mul3A_84 = arith.constant 640 : i32
      %mul3A_85 = arith.muli %arg1, %mul3A_84 : i32
      %mul3A_86 = arith.constant 640 : i32
      %mul3A_87 = arith.muli %arg1, %mul3A_86 : i32
      "tpu.region"() ({
        %run_scoped3A = tpu.sem_alloc : memref<!tpu.dma_semaphore, #tpu.memory_space<semaphore_mem>>
        %dma_start3A_88 = arith.constant 0 : i32
        %dma_start3A_89 = tpu.memref_slice %arg6[%mul3A_87, %dma_start3A_88] : memref<10000x128xf32, #tpu.memory_space<hbm>> -> memref<640x128xf32, #tpu.memory_space<hbm>>
        %dma_start3A_90 = arith.constant 0 : i32
        %dma_start3A_91 = tpu.memref_slice %arg12[%mul3A_85, %dma_start3A_90] : memref<10240x128xf32, #tpu.memory_space<vmem_shared>> -> memref<640x128xf32, #tpu.memory_space<vmem_shared>>
        tpu.enqueue_dma source(%dma_start3A_91 : memref<640x128xf32, #tpu.memory_space<vmem_shared>>) target(%dma_start3A_89 : memref<640x128xf32, #tpu.memory_space<hbm>>) target_semaphore(%run_scoped3A : memref<!tpu.dma_semaphore, #tpu.memory_space<semaphore_mem>>)
        %dma_wait3A = arith.constant 0 : i32
        %dma_wait3A_92 = tpu.memref_slice %arg6[%mul3A_87, %dma_wait3A] : memref<10000x128xf32, #tpu.memory_space<hbm>> -> memref<640x128xf32, #tpu.memory_space<hbm>>
        %dma_wait3A_93 = arith.constant 0 : i32
        %dma_wait3A_94 = tpu.memref_slice %arg12[%mul3A_85, %dma_wait3A_93] : memref<10240x128xf32, #tpu.memory_space<vmem_shared>> -> memref<640x128xf32, #tpu.memory_space<vmem_shared>>
        tpu.wait_dma2 semaphore(%run_scoped3A : memref<!tpu.dma_semaphore, #tpu.memory_space<semaphore_mem>>) src(%dma_wait3A_94 : memref<640x128xf32, #tpu.memory_space<vmem_shared>>) dst(%dma_wait3A_92 : memref<640x128xf32, #tpu.memory_space<hbm>>)
        tpu.yield
      }) : () -> ()
    } else {
    }
    %eq3A_76 = arith.constant 1 : i32
    %eq3A_77 = arith.cmpi eq, %arg0, %eq3A_76 : i32
    %eq3A_78 = arith.constant 15 : i32
    %eq3A_79 = arith.cmpi eq, %arg1, %eq3A_78 : i32
    %and3A_80 = arith.andi %eq3A_77, %eq3A_79 : i1
    %convert_element_type3A_81 = arith.extui %and3A_80 : i1 to i32
    %cond3A_82 = arith.constant 0 : i32
    %cond3A_83 = arith.cmpi ne, %convert_element_type3A_81, %cond3A_82 : i32
    scf.if %cond3A_83 {
      "tpu.region"() ({
        %run_scoped3A = tpu.sem_alloc : memref<!tpu.dma_semaphore, #tpu.memory_space<semaphore_mem>>
        %dma_start3A_84 = arith.constant 9600 : i32
        %dma_start3A_85 = arith.constant 0 : i32
        %dma_start3A_86 = tpu.memref_slice %arg6[%dma_start3A_84, %dma_start3A_85] : memref<10000x128xf32, #tpu.memory_space<hbm>> -> memref<400x128xf32, #tpu.memory_space<hbm>>
        %dma_start3A_87 = arith.constant 9600 : i32
        %dma_start3A_88 = arith.constant 0 : i32
        %dma_start3A_89 = tpu.memref_slice %arg12[%dma_start3A_87, %dma_start3A_88] : memref<10240x128xf32, #tpu.memory_space<vmem_shared>> -> memref<400x128xf32, #tpu.memory_space<vmem_shared>>
        tpu.enqueue_dma source(%dma_start3A_89 : memref<400x128xf32, #tpu.memory_space<vmem_shared>>) target(%dma_start3A_86 : memref<400x128xf32, #tpu.memory_space<hbm>>) target_semaphore(%run_scoped3A : memref<!tpu.dma_semaphore, #tpu.memory_space<semaphore_mem>>)
        %dma_wait3A = arith.constant 9600 : i32
        %dma_wait3A_90 = arith.constant 0 : i32
        %dma_wait3A_91 = tpu.memref_slice %arg6[%dma_wait3A, %dma_wait3A_90] : memref<10000x128xf32, #tpu.memory_space<hbm>> -> memref<400x128xf32, #tpu.memory_space<hbm>>
        %dma_wait3A_92 = arith.constant 9600 : i32
        %dma_wait3A_93 = arith.constant 0 : i32
        %dma_wait3A_94 = tpu.memref_slice %arg12[%dma_wait3A_92, %dma_wait3A_93] : memref<10240x128xf32, #tpu.memory_space<vmem_shared>> -> memref<400x128xf32, #tpu.memory_space<vmem_shared>>
        tpu.wait_dma2 semaphore(%run_scoped3A : memref<!tpu.dma_semaphore, #tpu.memory_space<semaphore_mem>>) src(%dma_wait3A_94 : memref<400x128xf32, #tpu.memory_space<vmem_shared>>) dst(%dma_wait3A_91 : memref<400x128xf32, #tpu.memory_space<hbm>>)
        tpu.yield
      }) : () -> ()
    } else {
    }
    return
  }
}

#map = affine_map<(d0, d1) -> (0, 0)>
#map1 = affine_map<(d0, d1) -> (0)>
module attributes {stable_mosaic.version = 14 : i64} {
  func.func @_agg_body(%arg0: i32, %arg1: i32, %arg2: memref<10000x128xf32, #tpu.memory_space<hbm>>, %arg3: memref<2560x128xi32, #tpu.memory_space<hbm>>, %arg4: memref<327680xi32, #tpu.memory_space<hbm>>, %arg5: memref<10000x128xf32, #tpu.memory_space<hbm>>, %arg6: memref<10000x128xf32, #tpu.memory_space<hbm>>, %arg7: memref<80x128xi32, #tpu.memory_space<vmem>>, %arg8: memref<128xi32, #tpu.memory_space<vmem>>, %arg9: memref<128xi32, #tpu.memory_space<vmem>>, %arg10: memref<128x128xf32, #tpu.memory_space<vmem>>, %arg11: memref<128x128xf32, #tpu.memory_space<vmem>>, %arg12: memref<10240x128xf32, #tpu.memory_space<vmem_shared>>, %arg13: memref<!tpu.dma_semaphore, #tpu.memory_space<semaphore_mem>>, %arg14: memref<!tpu.dma_semaphore, #tpu.memory_space<semaphore_mem>>, %arg15: memref<!tpu.dma_semaphore, #tpu.memory_space<semaphore_mem>>, %arg16: memref<!tpu.dma_semaphore, #tpu.memory_space<semaphore_mem>>) attributes {dimension_semantics = [#tpu.dimension_semantics<core_parallel>, #tpu.dimension_semantics<subcore_parallel>], iteration_bounds = array<i64: 2, 16>, scalar_prefetch = 0 : i64, scratch_operands = 10 : i64, tpu.core_type = #tpu.core_type<sc_vector_subcore>, window_params = [{transform_indices = #map}, {transform_indices = #map}, {transform_indices = #map1}, {transform_indices = #map}, {transform_indices = #map}]} {
    %mul3A = arith.constant 16 : i32
    %mul3A_0 = arith.muli %arg0, %mul3A : i32
    %add3A = arith.addi %mul3A_0, %arg1 : i32
    %mul3A_1 = arith.constant 80 : i32
    %mul3A_2 = arith.muli %add3A, %mul3A_1 : i32
    %mul3A_3 = arith.constant 128 : i32
    %mul3A_4 = arith.muli %mul3A_2, %mul3A_3 : i32
    "tpu.region"() ({
      %run_scoped3A = tpu.sem_alloc : memref<!tpu.dma_semaphore, #tpu.memory_space<semaphore_mem>>
      %dma_start3A_84 = arith.constant 0 : i32
      %dma_start3A_85 = tpu.memref_slice %arg3[%mul3A_2, %dma_start3A_84] : memref<2560x128xi32, #tpu.memory_space<hbm>> -> memref<80x128xi32, #tpu.memory_space<hbm>>
      %dma_start3A_86 = arith.constant 0 : i32
      %dma_start3A_87 = tpu.memref_slice %arg3[%mul3A_2, %dma_start3A_86] : memref<2560x128xi32, #tpu.memory_space<hbm>> -> memref<80x128xi32, #tpu.memory_space<hbm>>
      tpu.enqueue_dma source(%dma_start3A_87 : memref<80x128xi32, #tpu.memory_space<hbm>>) target(%arg7 : memref<80x128xi32, #tpu.memory_space<vmem>>) target_semaphore(%run_scoped3A : memref<!tpu.dma_semaphore, #tpu.memory_space<semaphore_mem>>)
      %dma_wait3A = arith.constant 0 : i32
      %dma_wait3A_88 = tpu.memref_slice %arg3[%mul3A_2, %dma_wait3A] : memref<2560x128xi32, #tpu.memory_space<hbm>> -> memref<80x128xi32, #tpu.memory_space<hbm>>
      %dma_wait3A_89 = arith.constant 0 : i32
      %dma_wait3A_90 = tpu.memref_slice %arg3[%mul3A_2, %dma_wait3A_89] : memref<2560x128xi32, #tpu.memory_space<hbm>> -> memref<80x128xi32, #tpu.memory_space<hbm>>
      tpu.wait_dma2 semaphore(%run_scoped3A : memref<!tpu.dma_semaphore, #tpu.memory_space<semaphore_mem>>) src(%dma_wait3A_90 : memref<80x128xi32, #tpu.memory_space<hbm>>) dst(%arg7 : memref<80x128xi32, #tpu.memory_space<vmem>>)
      tpu.yield
    }) : () -> ()
    %broadcast_in_dim3A = arith.constant 0.000000e+00 : f32
    %broadcast_in_dim3A_5 = vector.broadcast %broadcast_in_dim3A : f32 to vector<16xf32>
    %scan3A = arith.constant 0 : i32
    %scan3A_6 = arith.constant 0 : i32
    %scan3A_7 = arith.constant 1024 : i32
    %scan3A_8 = arith.addi %scan3A_6, %scan3A_7 : i32
    %scan3A_9 = arith.constant 1 : i32
    scf.for %scan3A_84 = %scan3A_6 to %scan3A_8 step %scan3A_9  : i32 {
      %jit3A = arith.constant 8 : i32
      %div3A = arith.divsi %scan3A_84, %jit3A : i32
      %sign3A = arith.constant 0 : i32
      %sign3A_85 = arith.cmpi sgt, %scan3A_84, %sign3A : i32
      %sign3A_86 = arith.extui %sign3A_85 : i1 to i32
      %sign3A_87 = arith.constant 0 : i32
      %sign3A_88 = arith.cmpi slt, %scan3A_84, %sign3A_87 : i32
      %sign3A_89 = arith.extui %sign3A_88 : i1 to i32
      %sign3A_90 = arith.subi %sign3A_86, %sign3A_89 : i32
      %sign3A_91 = arith.constant 0 : i32
      %sign3A_92 = arith.cmpi sgt, %jit3A, %sign3A_91 : i32
      %sign3A_93 = arith.extui %sign3A_92 : i1 to i32
      %sign3A_94 = arith.constant 0 : i32
      %sign3A_95 = arith.cmpi slt, %jit3A, %sign3A_94 : i32
      %sign3A_96 = arith.extui %sign3A_95 : i1 to i32
      %sign3A_97 = arith.subi %sign3A_93, %sign3A_96 : i32
      %ne3A = arith.cmpi ne, %sign3A_90, %sign3A_97 : i32
      %rem3A = arith.remsi %scan3A_84, %jit3A : i32
      %ne3A_98 = arith.constant 0 : i32
      %ne3A_99 = arith.cmpi ne, %rem3A, %ne3A_98 : i32
      %and3A_100 = arith.andi %ne3A, %ne3A_99 : i1
      %sub3A = arith.constant 1 : i32
      %sub3A_101 = arith.subi %div3A, %sub3A : i32
      %select_n3A = arith.select %and3A_100, %sub3A_101, %div3A : i32
      %mul3A_102 = arith.constant 8 : i32
      %mul3A_103 = arith.muli %select_n3A, %mul3A_102 : i32
      %sub3A_104 = arith.subi %scan3A_84, %mul3A_103 : i32
      %mul3A_105 = arith.constant 16 : i32
      %mul3A_106 = arith.muli %sub3A_104, %mul3A_105 : i32
      %swap3A = arith.index_cast %select_n3A : i32 to index
      %swap3A_107 = arith.index_cast %mul3A_106 : i32 to index
      %swap3A_108 = tpu.vector_load %arg10[%swap3A, %swap3A_107] {strides = array<i32>} : memref<128x128xf32, #tpu.memory_space<vmem>>, vector<1x16xf32>,
      %swap3A_109 = vector.shape_cast %swap3A_108 : vector<1x16xf32> to vector<16xf32>
      %swap3A_110 = vector.shape_cast %broadcast_in_dim3A_5 : vector<16xf32> to vector<1x16xf32>
      tpu.vector_store %arg10[%swap3A, %swap3A_107], %swap3A_110 {strides = array<i32>} : memref<128x128xf32, #tpu.memory_space<vmem>>, vector<1x16xf32>,
    }
    %scan3A_10 = arith.constant 1024 : i32
    %mul3A_11 = arith.constant 640 : i32
    %mul3A_12 = arith.muli %arg1, %mul3A_11 : i32
    %add3A_13 = arith.constant 0 : i32
    %add3A_14 = arith.addi %mul3A_12, %add3A_13 : i32
    "tpu.region"() ({
      %run_scoped3A = tpu.sem_alloc : memref<!tpu.dma_semaphore, #tpu.memory_space<semaphore_mem>>
      %dma_start3A_84 = arith.constant 0 : i32
      %dma_start3A_85 = tpu.memref_slice %arg12[%add3A_14, %dma_start3A_84] : memref<10240x128xf32, #tpu.memory_space<vmem_shared>> -> memref<128x128xf32, #tpu.memory_space<vmem_shared>>
      %dma_start3A_86 = arith.constant 0 : i32
      %dma_start3A_87 = tpu.memref_slice %arg12[%add3A_14, %dma_start3A_86] : memref<10240x128xf32, #tpu.memory_space<vmem_shared>> -> memref<128x128xf32, #tpu.memory_space<vmem_shared>>
      tpu.enqueue_dma source(%arg10 : memref<128x128xf32, #tpu.memory_space<vmem>>) target(%dma_start3A_87 : memref<128x128xf32, #tpu.memory_space<vmem_shared>>) target_semaphore(%run_scoped3A : memref<!tpu.dma_semaphore, #tpu.memory_space<semaphore_mem>>)
      %dma_wait3A = arith.constant 0 : i32
      %dma_wait3A_88 = tpu.memref_slice %arg12[%add3A_14, %dma_wait3A] : memref<10240x128xf32, #tpu.memory_space<vmem_shared>> -> memref<128x128xf32, #tpu.memory_space<vmem_shared>>
      %dma_wait3A_89 = arith.constant 0 : i32
      %dma_wait3A_90 = tpu.memref_slice %arg12[%add3A_14, %dma_wait3A_89] : memref<10240x128xf32, #tpu.memory_space<vmem_shared>> -> memref<128x128xf32, #tpu.memory_space<vmem_shared>>
      tpu.wait_dma2 semaphore(%run_scoped3A : memref<!tpu.dma_semaphore, #tpu.memory_space<semaphore_mem>>) src(%arg10 : memref<128x128xf32, #tpu.memory_space<vmem>>) dst(%dma_wait3A_90 : memref<128x128xf32, #tpu.memory_space<vmem_shared>>)
      tpu.yield
    }) : () -> ()
    %mul3A_15 = arith.constant 640 : i32
    %mul3A_16 = arith.muli %arg1, %mul3A_15 : i32
    %add3A_17 = arith.constant 128 : i32
    %add3A_18 = arith.addi %mul3A_16, %add3A_17 : i32
    "tpu.region"() ({
      %run_scoped3A = tpu.sem_alloc : memref<!tpu.dma_semaphore, #tpu.memory_space<semaphore_mem>>
      %dma_start3A_84 = arith.constant 0 : i32
      %dma_start3A_85 = tpu.memref_slice %arg12[%add3A_18, %dma_start3A_84] : memref<10240x128xf32, #tpu.memory_space<vmem_shared>> -> memref<128x128xf32, #tpu.memory_space<vmem_shared>>
      %dma_start3A_86 = arith.constant 0 : i32
      %dma_start3A_87 = tpu.memref_slice %arg12[%add3A_18, %dma_start3A_86] : memref<10240x128xf32, #tpu.memory_space<vmem_shared>> -> memref<128x128xf32, #tpu.memory_space<vmem_shared>>
      tpu.enqueue_dma source(%arg10 : memref<128x128xf32, #tpu.memory_space<vmem>>) target(%dma_start3A_87 : memref<128x128xf32, #tpu.memory_space<vmem_shared>>) target_semaphore(%run_scoped3A : memref<!tpu.dma_semaphore, #tpu.memory_space<semaphore_mem>>)
      %dma_wait3A = arith.constant 0 : i32
      %dma_wait3A_88 = tpu.memref_slice %arg12[%add3A_18, %dma_wait3A] : memref<10240x128xf32, #tpu.memory_space<vmem_shared>> -> memref<128x128xf32, #tpu.memory_space<vmem_shared>>
      %dma_wait3A_89 = arith.constant 0 : i32
      %dma_wait3A_90 = tpu.memref_slice %arg12[%add3A_18, %dma_wait3A_89] : memref<10240x128xf32, #tpu.memory_space<vmem_shared>> -> memref<128x128xf32, #tpu.memory_space<vmem_shared>>
      tpu.wait_dma2 semaphore(%run_scoped3A : memref<!tpu.dma_semaphore, #tpu.memory_space<semaphore_mem>>) src(%arg10 : memref<128x128xf32, #tpu.memory_space<vmem>>) dst(%dma_wait3A_90 : memref<128x128xf32, #tpu.memory_space<vmem_shared>>)
      tpu.yield
    }) : () -> ()
    %mul3A_19 = arith.constant 640 : i32
    %mul3A_20 = arith.muli %arg1, %mul3A_19 : i32
    %add3A_21 = arith.constant 256 : i32
    %add3A_22 = arith.addi %mul3A_20, %add3A_21 : i32
    "tpu.region"() ({
      %run_scoped3A = tpu.sem_alloc : memref<!tpu.dma_semaphore, #tpu.memory_space<semaphore_mem>>
      %dma_start3A_84 = arith.constant 0 : i32
      %dma_start3A_85 = tpu.memref_slice %arg12[%add3A_22, %dma_start3A_84] : memref<10240x128xf32, #tpu.memory_space<vmem_shared>> -> memref<128x128xf32, #tpu.memory_space<vmem_shared>>
      %dma_start3A_86 = arith.constant 0 : i32
      %dma_start3A_87 = tpu.memref_slice %arg12[%add3A_22, %dma_start3A_86] : memref<10240x128xf32, #tpu.memory_space<vmem_shared>> -> memref<128x128xf32, #tpu.memory_space<vmem_shared>>
      tpu.enqueue_dma source(%arg10 : memref<128x128xf32, #tpu.memory_space<vmem>>) target(%dma_start3A_87 : memref<128x128xf32, #tpu.memory_space<vmem_shared>>) target_semaphore(%run_scoped3A : memref<!tpu.dma_semaphore, #tpu.memory_space<semaphore_mem>>)
      %dma_wait3A = arith.constant 0 : i32
      %dma_wait3A_88 = tpu.memref_slice %arg12[%add3A_22, %dma_wait3A] : memref<10240x128xf32, #tpu.memory_space<vmem_shared>> -> memref<128x128xf32, #tpu.memory_space<vmem_shared>>
      %dma_wait3A_89 = arith.constant 0 : i32
      %dma_wait3A_90 = tpu.memref_slice %arg12[%add3A_22, %dma_wait3A_89] : memref<10240x128xf32, #tpu.memory_space<vmem_shared>> -> memref<128x128xf32, #tpu.memory_space<vmem_shared>>
      tpu.wait_dma2 semaphore(%run_scoped3A : memref<!tpu.dma_semaphore, #tpu.memory_space<semaphore_mem>>) src(%arg10 : memref<128x128xf32, #tpu.memory_space<vmem>>) dst(%dma_wait3A_90 : memref<128x128xf32, #tpu.memory_space<vmem_shared>>)
      tpu.yield
    }) : () -> ()
    %mul3A_23 = arith.constant 640 : i32
    %mul3A_24 = arith.muli %arg1, %mul3A_23 : i32
    %add3A_25 = arith.constant 384 : i32
    %add3A_26 = arith.addi %mul3A_24, %add3A_25 : i32
    "tpu.region"() ({
      %run_scoped3A = tpu.sem_alloc : memref<!tpu.dma_semaphore, #tpu.memory_space<semaphore_mem>>
      %dma_start3A_84 = arith.constant 0 : i32
      %dma_start3A_85 = tpu.memref_slice %arg12[%add3A_26, %dma_start3A_84] : memref<10240x128xf32, #tpu.memory_space<vmem_shared>> -> memref<128x128xf32, #tpu.memory_space<vmem_shared>>
      %dma_start3A_86 = arith.constant 0 : i32
      %dma_start3A_87 = tpu.memref_slice %arg12[%add3A_26, %dma_start3A_86] : memref<10240x128xf32, #tpu.memory_space<vmem_shared>> -> memref<128x128xf32, #tpu.memory_space<vmem_shared>>
      tpu.enqueue_dma source(%arg10 : memref<128x128xf32, #tpu.memory_space<vmem>>) target(%dma_start3A_87 : memref<128x128xf32, #tpu.memory_space<vmem_shared>>) target_semaphore(%run_scoped3A : memref<!tpu.dma_semaphore, #tpu.memory_space<semaphore_mem>>)
      %dma_wait3A = arith.constant 0 : i32
      %dma_wait3A_88 = tpu.memref_slice %arg12[%add3A_26, %dma_wait3A] : memref<10240x128xf32, #tpu.memory_space<vmem_shared>> -> memref<128x128xf32, #tpu.memory_space<vmem_shared>>
      %dma_wait3A_89 = arith.constant 0 : i32
      %dma_wait3A_90 = tpu.memref_slice %arg12[%add3A_26, %dma_wait3A_89] : memref<10240x128xf32, #tpu.memory_space<vmem_shared>> -> memref<128x128xf32, #tpu.memory_space<vmem_shared>>
      tpu.wait_dma2 semaphore(%run_scoped3A : memref<!tpu.dma_semaphore, #tpu.memory_space<semaphore_mem>>) src(%arg10 : memref<128x128xf32, #tpu.memory_space<vmem>>) dst(%dma_wait3A_90 : memref<128x128xf32, #tpu.memory_space<vmem_shared>>)
      tpu.yield
    }) : () -> ()
    %mul3A_27 = arith.constant 640 : i32
    %mul3A_28 = arith.muli %arg1, %mul3A_27 : i32
    %add3A_29 = arith.constant 512 : i32
    %add3A_30 = arith.addi %mul3A_28, %add3A_29 : i32
    "tpu.region"() ({
      %run_scoped3A = tpu.sem_alloc : memref<!tpu.dma_semaphore, #tpu.memory_space<semaphore_mem>>
      %dma_start3A_84 = arith.constant 0 : i32
      %dma_start3A_85 = tpu.memref_slice %arg12[%add3A_30, %dma_start3A_84] : memref<10240x128xf32, #tpu.memory_space<vmem_shared>> -> memref<128x128xf32, #tpu.memory_space<vmem_shared>>
      %dma_start3A_86 = arith.constant 0 : i32
      %dma_start3A_87 = tpu.memref_slice %arg12[%add3A_30, %dma_start3A_86] : memref<10240x128xf32, #tpu.memory_space<vmem_shared>> -> memref<128x128xf32, #tpu.memory_space<vmem_shared>>
      tpu.enqueue_dma source(%arg10 : memref<128x128xf32, #tpu.memory_space<vmem>>) target(%dma_start3A_87 : memref<128x128xf32, #tpu.memory_space<vmem_shared>>) target_semaphore(%run_scoped3A : memref<!tpu.dma_semaphore, #tpu.memory_space<semaphore_mem>>)
      %dma_wait3A = arith.constant 0 : i32
      %dma_wait3A_88 = tpu.memref_slice %arg12[%add3A_30, %dma_wait3A] : memref<10240x128xf32, #tpu.memory_space<vmem_shared>> -> memref<128x128xf32, #tpu.memory_space<vmem_shared>>
      %dma_wait3A_89 = arith.constant 0 : i32
      %dma_wait3A_90 = tpu.memref_slice %arg12[%add3A_30, %dma_wait3A_89] : memref<10240x128xf32, #tpu.memory_space<vmem_shared>> -> memref<128x128xf32, #tpu.memory_space<vmem_shared>>
      tpu.wait_dma2 semaphore(%run_scoped3A : memref<!tpu.dma_semaphore, #tpu.memory_space<semaphore_mem>>) src(%arg10 : memref<128x128xf32, #tpu.memory_space<vmem>>) dst(%dma_wait3A_90 : memref<128x128xf32, #tpu.memory_space<vmem_shared>>)
      tpu.yield
    }) : () -> ()
    %dma_start3A = tpu.memref_slice %arg4[%mul3A_4] : memref<327680xi32, #tpu.memory_space<hbm>> -> memref<128xi32, #tpu.memory_space<hbm>>
    %dma_start3A_31 = tpu.memref_slice %arg4[%mul3A_4] : memref<327680xi32, #tpu.memory_space<hbm>> -> memref<128xi32, #tpu.memory_space<hbm>>
    tpu.enqueue_dma source(%dma_start3A_31 : memref<128xi32, #tpu.memory_space<hbm>>) target(%arg8 : memref<128xi32, #tpu.memory_space<vmem>>) target_semaphore(%arg15 : memref<!tpu.dma_semaphore, #tpu.memory_space<semaphore_mem>>)
    %add3A_32 = arith.constant 128 : i32
    %add3A_33 = arith.addi %mul3A_4, %add3A_32 : i32
    %dma_start3A_34 = tpu.memref_slice %arg4[%add3A_33] : memref<327680xi32, #tpu.memory_space<hbm>> -> memref<128xi32, #tpu.memory_space<hbm>>
    %dma_start3A_35 = tpu.memref_slice %arg4[%add3A_33] : memref<327680xi32, #tpu.memory_space<hbm>> -> memref<128xi32, #tpu.memory_space<hbm>>
    tpu.enqueue_dma source(%dma_start3A_35 : memref<128xi32, #tpu.memory_space<hbm>>) target(%arg9 : memref<128xi32, #tpu.memory_space<vmem>>) target_semaphore(%arg16 : memref<!tpu.dma_semaphore, #tpu.memory_space<semaphore_mem>>)
    %dma_start3A_36 = arith.constant 0 : i32
    %dma_start3A_37 = arith.constant 0 : i32
    %dma_start3A_38 = tpu.memref_slice %arg7[%dma_start3A_36, %dma_start3A_37] : memref<80x128xi32, #tpu.memory_space<vmem>> -> memref<1x128xi32, #tpu.memory_space<vmem>>
    %dma_start3A_39 = tpu.memref_squeeze %dma_start3A_38 : memref<1x128xi32, #tpu.memory_space<vmem>> -> memref<128xi32, #tpu.memory_space<vmem>>
    %dma_start3A_40 = arith.constant 0 : i32
    %dma_start3A_41 = arith.constant 0 : i32
    %dma_start3A_42 = tpu.memref_slice %arg2[%dma_start3A_40, %dma_start3A_41] : memref<10000x128xf32, #tpu.memory_space<hbm>> -> memref<10000x128xf32, #tpu.memory_space<hbm>>
    tpu.enqueue_indirect_dma source(%dma_start3A_42 : memref<10000x128xf32, #tpu.memory_space<hbm>>) target(%arg10 : memref<128x128xf32, #tpu.memory_space<vmem>>) offsets(%dma_start3A_39 : memref<128xi32, #tpu.memory_space<vmem>>) semaphore(%arg13 : memref<!tpu.dma_semaphore, #tpu.memory_space<semaphore_mem>>)
    %dma_start3A_43 = arith.constant 1 : i32
    %dma_start3A_44 = arith.constant 0 : i32
    %dma_start3A_45 = tpu.memref_slice %arg7[%dma_start3A_43, %dma_start3A_44] : memref<80x128xi32, #tpu.memory_space<vmem>> -> memref<1x128xi32, #tpu.memory_space<vmem>>
    %dma_start3A_46 = tpu.memref_squeeze %dma_start3A_45 : memref<1x128xi32, #tpu.memory_space<vmem>> -> memref<128xi32, #tpu.memory_space<vmem>>
    %dma_start3A_47 = arith.constant 0 : i32
    %dma_start3A_48 = arith.constant 0 : i32
    %dma_start3A_49 = tpu.memref_slice %arg2[%dma_start3A_47, %dma_start3A_48] : memref<10000x128xf32, #tpu.memory_space<hbm>> -> memref<10000x128xf32, #tpu.memory_space<hbm>>
    tpu.enqueue_indirect_dma source(%dma_start3A_49 : memref<10000x128xf32, #tpu.memory_space<hbm>>) target(%arg11 : memref<128x128xf32, #tpu.memory_space<vmem>>) offsets(%dma_start3A_46 : memref<128xi32, #tpu.memory_space<vmem>>) semaphore(%arg14 : memref<!tpu.dma_semaphore, #tpu.memory_space<semaphore_mem>>)
    %barrier3A = arith.constant 0 : index
    tpu.barrier barrier_id(%barrier3A)
    %scan3A_50 = arith.constant 0 : i32
    %scan3A_51 = arith.constant 0 : i32
    %scan3A_52 = arith.constant 80 : i32
    %scan3A_53 = arith.addi %scan3A_51, %scan3A_52 : i32
    %scan3A_54 = arith.constant 1 : i32
    scf.for %scan3A_84 = %scan3A_51 to %scan3A_53 step %scan3A_54  : i32 {
      %rem3A = arith.constant 2 : i32
      %rem3A_85 = arith.remsi %scan3A_84, %rem3A : i32
      %eq3A_86 = arith.constant 0 : i32
      %eq3A_87 = arith.cmpi eq, %rem3A_85, %eq3A_86 : i32
      %convert_element_type3A_88 = arith.extui %eq3A_87 : i1 to i32
      %cond3A_89 = arith.constant 0 : i32
      %cond3A_90 = arith.cmpi ne, %convert_element_type3A_88, %cond3A_89 : i32
      scf.if %cond3A_90 {
        %mul3A_96 = arith.constant 128 : i32
        %mul3A_97 = arith.muli %scan3A_84, %mul3A_96 : i32
        %add3A_98 = arith.addi %mul3A_4, %mul3A_97 : i32
        %dma_wait3A = tpu.memref_slice %arg4[%add3A_98] : memref<327680xi32, #tpu.memory_space<hbm>> -> memref<128xi32, #tpu.memory_space<hbm>>
        %dma_wait3A_99 = tpu.memref_slice %arg4[%add3A_98] : memref<327680xi32, #tpu.memory_space<hbm>> -> memref<128xi32, #tpu.memory_space<hbm>>
        tpu.wait_dma2 semaphore(%arg15 : memref<!tpu.dma_semaphore, #tpu.memory_space<semaphore_mem>>) src(%dma_wait3A_99 : memref<128xi32, #tpu.memory_space<hbm>>) dst(%arg8 : memref<128xi32, #tpu.memory_space<vmem>>)
        %dma_wait3A_100 = arith.constant 0 : i32
        %dma_wait3A_101 = tpu.memref_slice %arg7[%scan3A_84, %dma_wait3A_100] : memref<80x128xi32, #tpu.memory_space<vmem>> -> memref<1x128xi32, #tpu.memory_space<vmem>>
        %dma_wait3A_102 = tpu.memref_squeeze %dma_wait3A_101 : memref<1x128xi32, #tpu.memory_space<vmem>> -> memref<128xi32, #tpu.memory_space<vmem>>
        %dma_wait3A_103 = arith.constant 0 : i32
        %dma_wait3A_104 = arith.constant 0 : i32
        %dma_wait3A_105 = tpu.memref_slice %arg2[%dma_wait3A_103, %dma_wait3A_104] : memref<10000x128xf32, #tpu.memory_space<hbm>> -> memref<10000x128xf32, #tpu.memory_space<hbm>>
        tpu.wait_indirect_dma semaphore(%arg13 : memref<!tpu.dma_semaphore, #tpu.memory_space<semaphore_mem>>) src(%dma_wait3A_105 : memref<10000x128xf32, #tpu.memory_space<hbm>>) dst(%arg10 : memref<128x128xf32, #tpu.memory_space<vmem>>)
        "tpu.region"() ({
          %run_scoped3A = tpu.sem_alloc : memref<!tpu.dma_semaphore, #tpu.memory_space<semaphore_mem>>
          %dma_start3A_113 = arith.constant 0 : i32
          %dma_start3A_114 = arith.constant 0 : i32
          %dma_start3A_115 = tpu.memref_slice %arg12[%dma_start3A_113, %dma_start3A_114] : memref<10240x128xf32, #tpu.memory_space<vmem_shared>> -> memref<10240x128xf32, #tpu.memory_space<vmem_shared>>
          tpu.enqueue_indirect_dma source(%arg10 : memref<128x128xf32, #tpu.memory_space<vmem>>) target(%dma_start3A_115 : memref<10240x128xf32, #tpu.memory_space<vmem_shared>>) offsets(%arg8 : memref<128xi32, #tpu.memory_space<vmem>>) semaphore(%run_scoped3A : memref<!tpu.dma_semaphore, #tpu.memory_space<semaphore_mem>>) {add = true}
          %dma_wait3A_116 = arith.constant 0 : i32
          %dma_wait3A_117 = arith.constant 0 : i32
          %dma_wait3A_118 = tpu.memref_slice %arg12[%dma_wait3A_116, %dma_wait3A_117] : memref<10240x128xf32, #tpu.memory_space<vmem_shared>> -> memref<10240x128xf32, #tpu.memory_space<vmem_shared>>
          tpu.wait_indirect_dma semaphore(%run_scoped3A : memref<!tpu.dma_semaphore, #tpu.memory_space<semaphore_mem>>) src(%arg10 : memref<128x128xf32, #tpu.memory_space<vmem>>) dst(%dma_wait3A_118 : memref<10240x128xf32, #tpu.memory_space<vmem_shared>>)
          tpu.yield
        }) : () -> ()
        %add3A_106 = arith.constant 2 : i32
        %add3A_107 = arith.addi %scan3A_84, %add3A_106 : i32
        %lt3A_108 = arith.constant 80 : i32
        %lt3A_109 = arith.cmpi slt, %add3A_107, %lt3A_108 : i32
        %convert_element_type3A_110 = arith.extui %lt3A_109 : i1 to i32
        %cond3A_111 = arith.constant 0 : i32
        %cond3A_112 = arith.cmpi ne, %convert_element_type3A_110, %cond3A_111 : i32
        scf.if %cond3A_112 {
          %add3A_113 = arith.constant 2 : i32
          %add3A_114 = arith.addi %scan3A_84, %add3A_113 : i32
          %mul3A_115 = arith.constant 128 : i32
          %mul3A_116 = arith.muli %add3A_114, %mul3A_115 : i32
          %add3A_117 = arith.addi %mul3A_4, %mul3A_116 : i32
          %dma_start3A_118 = tpu.memref_slice %arg4[%add3A_117] : memref<327680xi32, #tpu.memory_space<hbm>> -> memref<128xi32, #tpu.memory_space<hbm>>
          %dma_start3A_119 = tpu.memref_slice %arg4[%add3A_117] : memref<327680xi32, #tpu.memory_space<hbm>> -> memref<128xi32, #tpu.memory_space<hbm>>
          tpu.enqueue_dma source(%dma_start3A_119 : memref<128xi32, #tpu.memory_space<hbm>>) target(%arg8 : memref<128xi32, #tpu.memory_space<vmem>>) target_semaphore(%arg15 : memref<!tpu.dma_semaphore, #tpu.memory_space<semaphore_mem>>)
          %add3A_120 = arith.constant 2 : i32
          %add3A_121 = arith.addi %scan3A_84, %add3A_120 : i32
          %dma_start3A_122 = arith.constant 0 : i32
          %dma_start3A_123 = tpu.memref_slice %arg7[%add3A_121, %dma_start3A_122] : memref<80x128xi32, #tpu.memory_space<vmem>> -> memref<1x128xi32, #tpu.memory_space<vmem>>
          %dma_start3A_124 = tpu.memref_squeeze %dma_start3A_123 : memref<1x128xi32, #tpu.memory_space<vmem>> -> memref<128xi32, #tpu.memory_space<vmem>>
          %dma_start3A_125 = arith.constant 0 : i32
          %dma_start3A_126 = arith.constant 0 : i32
          %dma_start3A_127 = tpu.memref_slice %arg2[%dma_start3A_125, %dma_start3A_126] : memref<10000x128xf32, #tpu.memory_space<hbm>> -> memref<10000x128xf32, #tpu.memory_space<hbm>>
          tpu.enqueue_indirect_dma source(%dma_start3A_127 : memref<10000x128xf32, #tpu.memory_space<hbm>>) target(%arg10 : memref<128x128xf32, #tpu.memory_space<vmem>>) offsets(%dma_start3A_124 : memref<128xi32, #tpu.memory_space<vmem>>) semaphore(%arg13 : memref<!tpu.dma_semaphore, #tpu.memory_space<semaphore_mem>>)
        } else {
        }
      } else {
      }
      %eq3A_91 = arith.constant 1 : i32
      %eq3A_92 = arith.cmpi eq, %rem3A_85, %eq3A_91 : i32
      %convert_element_type3A_93 = arith.extui %eq3A_92 : i1 to i32
      %cond3A_94 = arith.constant 0 : i32
      %cond3A_95 = arith.cmpi ne, %convert_element_type3A_93, %cond3A_94 : i32
      scf.if %cond3A_95 {
        %mul3A_96 = arith.constant 128 : i32
        %mul3A_97 = arith.muli %scan3A_84, %mul3A_96 : i32
        %add3A_98 = arith.addi %mul3A_4, %mul3A_97 : i32
        %dma_wait3A = tpu.memref_slice %arg4[%add3A_98] : memref<327680xi32, #tpu.memory_space<hbm>> -> memref<128xi32, #tpu.memory_space<hbm>>
        %dma_wait3A_99 = tpu.memref_slice %arg4[%add3A_98] : memref<327680xi32, #tpu.memory_space<hbm>> -> memref<128xi32, #tpu.memory_space<hbm>>
        tpu.wait_dma2 semaphore(%arg16 : memref<!tpu.dma_semaphore, #tpu.memory_space<semaphore_mem>>) src(%dma_wait3A_99 : memref<128xi32, #tpu.memory_space<hbm>>) dst(%arg9 : memref<128xi32, #tpu.memory_space<vmem>>)
        %dma_wait3A_100 = arith.constant 0 : i32
        %dma_wait3A_101 = tpu.memref_slice %arg7[%scan3A_84, %dma_wait3A_100] : memref<80x128xi32, #tpu.memory_space<vmem>> -> memref<1x128xi32, #tpu.memory_space<vmem>>
        %dma_wait3A_102 = tpu.memref_squeeze %dma_wait3A_101 : memref<1x128xi32, #tpu.memory_space<vmem>> -> memref<128xi32, #tpu.memory_space<vmem>>
        %dma_wait3A_103 = arith.constant 0 : i32
        %dma_wait3A_104 = arith.constant 0 : i32
        %dma_wait3A_105 = tpu.memref_slice %arg2[%dma_wait3A_103, %dma_wait3A_104] : memref<10000x128xf32, #tpu.memory_space<hbm>> -> memref<10000x128xf32, #tpu.memory_space<hbm>>
        tpu.wait_indirect_dma semaphore(%arg14 : memref<!tpu.dma_semaphore, #tpu.memory_space<semaphore_mem>>) src(%dma_wait3A_105 : memref<10000x128xf32, #tpu.memory_space<hbm>>) dst(%arg11 : memref<128x128xf32, #tpu.memory_space<vmem>>)
        "tpu.region"() ({
          %run_scoped3A = tpu.sem_alloc : memref<!tpu.dma_semaphore, #tpu.memory_space<semaphore_mem>>
          %dma_start3A_113 = arith.constant 0 : i32
          %dma_start3A_114 = arith.constant 0 : i32
          %dma_start3A_115 = tpu.memref_slice %arg12[%dma_start3A_113, %dma_start3A_114] : memref<10240x128xf32, #tpu.memory_space<vmem_shared>> -> memref<10240x128xf32, #tpu.memory_space<vmem_shared>>
          tpu.enqueue_indirect_dma source(%arg11 : memref<128x128xf32, #tpu.memory_space<vmem>>) target(%dma_start3A_115 : memref<10240x128xf32, #tpu.memory_space<vmem_shared>>) offsets(%arg9 : memref<128xi32, #tpu.memory_space<vmem>>) semaphore(%run_scoped3A : memref<!tpu.dma_semaphore, #tpu.memory_space<semaphore_mem>>) {add = true}
          %dma_wait3A_116 = arith.constant 0 : i32
          %dma_wait3A_117 = arith.constant 0 : i32
          %dma_wait3A_118 = tpu.memref_slice %arg12[%dma_wait3A_116, %dma_wait3A_117] : memref<10240x128xf32, #tpu.memory_space<vmem_shared>> -> memref<10240x128xf32, #tpu.memory_space<vmem_shared>>
          tpu.wait_indirect_dma semaphore(%run_scoped3A : memref<!tpu.dma_semaphore, #tpu.memory_space<semaphore_mem>>) src(%arg11 : memref<128x128xf32, #tpu.memory_space<vmem>>) dst(%dma_wait3A_118 : memref<10240x128xf32, #tpu.memory_space<vmem_shared>>)
          tpu.yield
        }) : () -> ()
        %add3A_106 = arith.constant 2 : i32
        %add3A_107 = arith.addi %scan3A_84, %add3A_106 : i32
        %lt3A_108 = arith.constant 80 : i32
        %lt3A_109 = arith.cmpi slt, %add3A_107, %lt3A_108 : i32
        %convert_element_type3A_110 = arith.extui %lt3A_109 : i1 to i32
        %cond3A_111 = arith.constant 0 : i32
        %cond3A_112 = arith.cmpi ne, %convert_element_type3A_110, %cond3A_111 : i32
        scf.if %cond3A_112 {
          %add3A_113 = arith.constant 2 : i32
          %add3A_114 = arith.addi %scan3A_84, %add3A_113 : i32
          %mul3A_115 = arith.constant 128 : i32
          %mul3A_116 = arith.muli %add3A_114, %mul3A_115 : i32
          %add3A_117 = arith.addi %mul3A_4, %mul3A_116 : i32
          %dma_start3A_118 = tpu.memref_slice %arg4[%add3A_117] : memref<327680xi32, #tpu.memory_space<hbm>> -> memref<128xi32, #tpu.memory_space<hbm>>
          %dma_start3A_119 = tpu.memref_slice %arg4[%add3A_117] : memref<327680xi32, #tpu.memory_space<hbm>> -> memref<128xi32, #tpu.memory_space<hbm>>
          tpu.enqueue_dma source(%dma_start3A_119 : memref<128xi32, #tpu.memory_space<hbm>>) target(%arg9 : memref<128xi32, #tpu.memory_space<vmem>>) target_semaphore(%arg16 : memref<!tpu.dma_semaphore, #tpu.memory_space<semaphore_mem>>)
          %add3A_120 = arith.constant 2 : i32
          %add3A_121 = arith.addi %scan3A_84, %add3A_120 : i32
          %dma_start3A_122 = arith.constant 0 : i32
          %dma_start3A_123 = tpu.memref_slice %arg7[%add3A_121, %dma_start3A_122] : memref<80x128xi32, #tpu.memory_space<vmem>> -> memref<1x128xi32, #tpu.memory_space<vmem>>
          %dma_start3A_124 = tpu.memref_squeeze %dma_start3A_123 : memref<1x128xi32, #tpu.memory_space<vmem>> -> memref<128xi32, #tpu.memory_space<vmem>>
          %dma_start3A_125 = arith.constant 0 : i32
          %dma_start3A_126 = arith.constant 0 : i32
          %dma_start3A_127 = tpu.memref_slice %arg2[%dma_start3A_125, %dma_start3A_126] : memref<10000x128xf32, #tpu.memory_space<hbm>> -> memref<10000x128xf32, #tpu.memory_space<hbm>>
          tpu.enqueue_indirect_dma source(%dma_start3A_127 : memref<10000x128xf32, #tpu.memory_space<hbm>>) target(%arg11 : memref<128x128xf32, #tpu.memory_space<vmem>>) offsets(%dma_start3A_124 : memref<128xi32, #tpu.memory_space<vmem>>) semaphore(%arg14 : memref<!tpu.dma_semaphore, #tpu.memory_space<semaphore_mem>>)
        } else {
        }
      } else {
      }
    }
    %scan3A_55 = arith.constant 80 : i32
    %barrier3A_56 = arith.constant 0 : index
    tpu.barrier barrier_id(%barrier3A_56)
    %eq3A = arith.constant 0 : i32
    %eq3A_57 = arith.cmpi eq, %arg0, %eq3A : i32
    %lt3A = arith.constant 15 : i32
    %lt3A_58 = arith.cmpi slt, %arg1, %lt3A : i32
    %and3A = arith.andi %eq3A_57, %lt3A_58 : i1
    %convert_element_type3A = arith.extui %and3A : i1 to i32
    %cond3A = arith.constant 0 : i32
    %cond3A_59 = arith.cmpi ne, %convert_element_type3A, %cond3A : i32
    scf.if %cond3A_59 {
      %mul3A_84 = arith.constant 640 : i32
      %mul3A_85 = arith.muli %arg1, %mul3A_84 : i32
      %mul3A_86 = arith.constant 640 : i32
      %mul3A_87 = arith.muli %arg1, %mul3A_86 : i32
      "tpu.region"() ({
        %run_scoped3A = tpu.sem_alloc : memref<!tpu.dma_semaphore, #tpu.memory_space<semaphore_mem>>
        %dma_start3A_88 = arith.constant 0 : i32
        %dma_start3A_89 = tpu.memref_slice %arg5[%mul3A_87, %dma_start3A_88] : memref<10000x128xf32, #tpu.memory_space<hbm>> -> memref<640x128xf32, #tpu.memory_space<hbm>>
        %dma_start3A_90 = arith.constant 0 : i32
        %dma_start3A_91 = tpu.memref_slice %arg12[%mul3A_85, %dma_start3A_90] : memref<10240x128xf32, #tpu.memory_space<vmem_shared>> -> memref<640x128xf32, #tpu.memory_space<vmem_shared>>
        tpu.enqueue_dma source(%dma_start3A_91 : memref<640x128xf32, #tpu.memory_space<vmem_shared>>) target(%dma_start3A_89 : memref<640x128xf32, #tpu.memory_space<hbm>>) target_semaphore(%run_scoped3A : memref<!tpu.dma_semaphore, #tpu.memory_space<semaphore_mem>>)
        %dma_wait3A = arith.constant 0 : i32
        %dma_wait3A_92 = tpu.memref_slice %arg5[%mul3A_87, %dma_wait3A] : memref<10000x128xf32, #tpu.memory_space<hbm>> -> memref<640x128xf32, #tpu.memory_space<hbm>>
        %dma_wait3A_93 = arith.constant 0 : i32
        %dma_wait3A_94 = tpu.memref_slice %arg12[%mul3A_85, %dma_wait3A_93] : memref<10240x128xf32, #tpu.memory_space<vmem_shared>> -> memref<640x128xf32, #tpu.memory_space<vmem_shared>>
        tpu.wait_dma2 semaphore(%run_scoped3A : memref<!tpu.dma_semaphore, #tpu.memory_space<semaphore_mem>>) src(%dma_wait3A_94 : memref<640x128xf32, #tpu.memory_space<vmem_shared>>) dst(%dma_wait3A_92 : memref<640x128xf32, #tpu.memory_space<hbm>>)
        tpu.yield
      }) : () -> ()
    } else {
    }
    %eq3A_60 = arith.constant 0 : i32
    %eq3A_61 = arith.cmpi eq, %arg0, %eq3A_60 : i32
    %eq3A_62 = arith.constant 15 : i32
    %eq3A_63 = arith.cmpi eq, %arg1, %eq3A_62 : i32
    %and3A_64 = arith.andi %eq3A_61, %eq3A_63 : i1
    %convert_element_type3A_65 = arith.extui %and3A_64 : i1 to i32
    %cond3A_66 = arith.constant 0 : i32
    %cond3A_67 = arith.cmpi ne, %convert_element_type3A_65, %cond3A_66 : i32
    scf.if %cond3A_67 {
      "tpu.region"() ({
        %run_scoped3A = tpu.sem_alloc : memref<!tpu.dma_semaphore, #tpu.memory_space<semaphore_mem>>
        %dma_start3A_84 = arith.constant 9600 : i32
        %dma_start3A_85 = arith.constant 0 : i32
        %dma_start3A_86 = tpu.memref_slice %arg5[%dma_start3A_84, %dma_start3A_85] : memref<10000x128xf32, #tpu.memory_space<hbm>> -> memref<400x128xf32, #tpu.memory_space<hbm>>
        %dma_start3A_87 = arith.constant 9600 : i32
        %dma_start3A_88 = arith.constant 0 : i32
        %dma_start3A_89 = tpu.memref_slice %arg12[%dma_start3A_87, %dma_start3A_88] : memref<10240x128xf32, #tpu.memory_space<vmem_shared>> -> memref<400x128xf32, #tpu.memory_space<vmem_shared>>
        tpu.enqueue_dma source(%dma_start3A_89 : memref<400x128xf32, #tpu.memory_space<vmem_shared>>) target(%dma_start3A_86 : memref<400x128xf32, #tpu.memory_space<hbm>>) target_semaphore(%run_scoped3A : memref<!tpu.dma_semaphore, #tpu.memory_space<semaphore_mem>>)
        %dma_wait3A = arith.constant 9600 : i32
        %dma_wait3A_90 = arith.constant 0 : i32
        %dma_wait3A_91 = tpu.memref_slice %arg5[%dma_wait3A, %dma_wait3A_90] : memref<10000x128xf32, #tpu.memory_space<hbm>> -> memref<400x128xf32, #tpu.memory_space<hbm>>
        %dma_wait3A_92 = arith.constant 9600 : i32
        %dma_wait3A_93 = arith.constant 0 : i32
        %dma_wait3A_94 = tpu.memref_slice %arg12[%dma_wait3A_92, %dma_wait3A_93] : memref<10240x128xf32, #tpu.memory_space<vmem_shared>> -> memref<400x128xf32, #tpu.memory_space<vmem_shared>>
        tpu.wait_dma2 semaphore(%run_scoped3A : memref<!tpu.dma_semaphore, #tpu.memory_space<semaphore_mem>>) src(%dma_wait3A_94 : memref<400x128xf32, #tpu.memory_space<vmem_shared>>) dst(%dma_wait3A_91 : memref<400x128xf32, #tpu.memory_space<hbm>>)
        tpu.yield
      }) : () -> ()
    } else {
    }
    %eq3A_68 = arith.constant 1 : i32
    %eq3A_69 = arith.cmpi eq, %arg0, %eq3A_68 : i32
    %lt3A_70 = arith.constant 15 : i32
    %lt3A_71 = arith.cmpi slt, %arg1, %lt3A_70 : i32
    %and3A_72 = arith.andi %eq3A_69, %lt3A_71 : i1
    %convert_element_type3A_73 = arith.extui %and3A_72 : i1 to i32
    %cond3A_74 = arith.constant 0 : i32
    %cond3A_75 = arith.cmpi ne, %convert_element_type3A_73, %cond3A_74 : i32
    scf.if %cond3A_75 {
      %mul3A_84 = arith.constant 640 : i32
      %mul3A_85 = arith.muli %arg1, %mul3A_84 : i32
      %mul3A_86 = arith.constant 640 : i32
      %mul3A_87 = arith.muli %arg1, %mul3A_86 : i32
      "tpu.region"() ({
        %run_scoped3A = tpu.sem_alloc : memref<!tpu.dma_semaphore, #tpu.memory_space<semaphore_mem>>
        %dma_start3A_88 = arith.constant 0 : i32
        %dma_start3A_89 = tpu.memref_slice %arg6[%mul3A_87, %dma_start3A_88] : memref<10000x128xf32, #tpu.memory_space<hbm>> -> memref<640x128xf32, #tpu.memory_space<hbm>>
        %dma_start3A_90 = arith.constant 0 : i32
        %dma_start3A_91 = tpu.memref_slice %arg12[%mul3A_85, %dma_start3A_90] : memref<10240x128xf32, #tpu.memory_space<vmem_shared>> -> memref<640x128xf32, #tpu.memory_space<vmem_shared>>
        tpu.enqueue_dma source(%dma_start3A_91 : memref<640x128xf32, #tpu.memory_space<vmem_shared>>) target(%dma_start3A_89 : memref<640x128xf32, #tpu.memory_space<hbm>>) target_semaphore(%run_scoped3A : memref<!tpu.dma_semaphore, #tpu.memory_space<semaphore_mem>>)
        %dma_wait3A = arith.constant 0 : i32
        %dma_wait3A_92 = tpu.memref_slice %arg6[%mul3A_87, %dma_wait3A] : memref<10000x128xf32, #tpu.memory_space<hbm>> -> memref<640x128xf32, #tpu.memory_space<hbm>>
        %dma_wait3A_93 = arith.constant 0 : i32
        %dma_wait3A_94 = tpu.memref_slice %arg12[%mul3A_85, %dma_wait3A_93] : memref<10240x128xf32, #tpu.memory_space<vmem_shared>> -> memref<640x128xf32, #tpu.memory_space<vmem_shared>>
        tpu.wait_dma2 semaphore(%run_scoped3A : memref<!tpu.dma_semaphore, #tpu.memory_space<semaphore_mem>>) src(%dma_wait3A_94 : memref<640x128xf32, #tpu.memory_space<vmem_shared>>) dst(%dma_wait3A_92 : memref<640x128xf32, #tpu.memory_space<hbm>>)
        tpu.yield
      }) : () -> ()
    } else {
    }
    %eq3A_76 = arith.constant 1 : i32
    %eq3A_77 = arith.cmpi eq, %arg0, %eq3A_76 : i32
    %eq3A_78 = arith.constant 15 : i32
    %eq3A_79 = arith.cmpi eq, %arg1, %eq3A_78 : i32
    %and3A_80 = arith.andi %eq3A_77, %eq3A_79 : i1
    %convert_element_type3A_81 = arith.extui %and3A_80 : i1 to i32
    %cond3A_82 = arith.constant 0 : i32
    %cond3A_83 = arith.cmpi ne, %convert_element_type3A_81, %cond3A_82 : i32
    scf.if %cond3A_83 {
      "tpu.region"() ({
        %run_scoped3A = tpu.sem_alloc : memref<!tpu.dma_semaphore, #tpu.memory_space<semaphore_mem>>
        %dma_start3A_84 = arith.constant 9600 : i32
        %dma_start3A_85 = arith.constant 0 : i32
        %dma_start3A_86 = tpu.memref_slice %arg6[%dma_start3A_84, %dma_start3A_85] : memref<10000x128xf32, #tpu.memory_space<hbm>> -> memref<400x128xf32, #tpu.memory_space<hbm>>
        %dma_start3A_87 = arith.constant 9600 : i32
        %dma_start3A_88 = arith.constant 0 : i32
        %dma_start3A_89 = tpu.memref_slice %arg12[%dma_start3A_87, %dma_start3A_88] : memref<10240x128xf32, #tpu.memory_space<vmem_shared>> -> memref<400x128xf32, #tpu.memory_space<vmem_shared>>
        tpu.enqueue_dma source(%dma_start3A_89 : memref<400x128xf32, #tpu.memory_space<vmem_shared>>) target(%dma_start3A_86 : memref<400x128xf32, #tpu.memory_space<hbm>>) target_semaphore(%run_scoped3A : memref<!tpu.dma_semaphore, #tpu.memory_space<semaphore_mem>>)
        %dma_wait3A = arith.constant 9600 : i32
        %dma_wait3A_90 = arith.constant 0 : i32
        %dma_wait3A_91 = tpu.memref_slice %arg6[%dma_wait3A, %dma_wait3A_90] : memref<10000x128xf32, #tpu.memory_space<hbm>> -> memref<400x128xf32, #tpu.memory_space<hbm>>
        %dma_wait3A_92 = arith.constant 9600 : i32
        %dma_wait3A_93 = arith.constant 0 : i32
        %dma_wait3A_94 = tpu.memref_slice %arg12[%dma_wait3A_92, %dma_wait3A_93] : memref<10240x128xf32, #tpu.memory_space<vmem_shared>> -> memref<400x128xf32, #tpu.memory_space<vmem_shared>>
        tpu.wait_dma2 semaphore(%run_scoped3A : memref<!tpu.dma_semaphore, #tpu.memory_space<semaphore_mem>>) src(%dma_wait3A_94 : memref<400x128xf32, #tpu.memory_space<vmem_shared>>) dst(%dma_wait3A_91 : memref<400x128xf32, #tpu.memory_space<hbm>>)
        tpu.yield
      }) : () -> ()
    } else {
    }
    return
  }
}

module attributes {stable_mosaic.version = 14 : i64} {
  func.func @_k2_body(%arg0: i32, %arg1: memref<2000x1xf32, #tpu.memory_space<vmem>>, %arg2: memref<2000x1xf32, #tpu.memory_space<vmem>>, %arg3: memref<2000x128xf32, #tpu.memory_space<vmem>>, %arg4: memref<128x128xf32, #tpu.memory_space<vmem>>, %arg5: memref<2000x128xf32, #tpu.memory_space<vmem>>, %arg6: memref<2000x1xf32, #tpu.memory_space<vmem>>) attributes {dimension_semantics = [#tpu.dimension_semantics<arbitrary>], iteration_bounds = array<i64: 5>, scalar_prefetch = 0 : i64, scratch_operands = 0 : i64, tpu.core_type = #tpu.core_type<tc>, window_params = [{transform_indices = @transform_0, window_bounds = array<i64: 2000, 1>}, {transform_indices = @transform_1, window_bounds = array<i64: 2000, 1>}, {transform_indices = @transform_2, window_bounds = array<i64: 2000, 128>}, {pipeline_mode = #tpu.pipeline_mode<synchronous>, transform_indices = @transform_3, window_bounds = array<i64: 128, 128>}, {transform_indices = @transform_4, window_bounds = array<i64: 2000, 128>}, {transform_indices = @transform_5, window_bounds = array<i64: 2000, 1>}]} {
    %get3A = arith.constant 0 : index
    %get3A_0 = arith.constant 0 : index
    %get3A_1 = vector.load %arg1[%get3A, %get3A_0] : memref<2000x1xf32, #tpu.memory_space<vmem>>, vector<2000x1xf32>
    %get3A_2 = arith.constant 0 : index
    %get3A_3 = arith.constant 0 : index
    %get3A_4 = vector.load %arg2[%get3A_2, %get3A_3] : memref<2000x1xf32, #tpu.memory_space<vmem>>, vector<2000x1xf32>
    %add3A = arith.addf %get3A_1, %get3A_4 : vector<2000x1xf32>
    %add3A_5 = arith.constant 1.000000e+00 : f32
    %add3A_6 = vector.broadcast %add3A_5 : f32 to vector<2000x1xf32>
    %add3A_7 = arith.addf %add3A, %add3A_6 : vector<2000x1xf32>
    %rsqrt3A = math.rsqrt %add3A_7 : vector<2000x1xf32>
    %get3A_8 = arith.constant 0 : index
    %get3A_9 = arith.constant 0 : index
    %get3A_10 = vector.load %arg3[%get3A_8, %get3A_9] : memref<2000x128xf32, #tpu.memory_space<vmem>>, vector<2000x128xf32>
    %get3A_11 = arith.constant 0 : index
    %get3A_12 = arith.constant 0 : index
    %get3A_13 = vector.load %arg4[%get3A_11, %get3A_12] : memref<128x128xf32, #tpu.memory_space<vmem>>, vector<128x128xf32>
    %dot_general3A = arith.constant dense<0.000000e+00> : vector<2000x128xf32>
    %dot_general3A_14 = tpu.matmul %get3A_10, %get3A_13, %dot_general3A {dimension_numbers = #tpu.dot_dimension_numbers<[1], [0], [0], [1], [0, 0, 1, 1], [], []>, transpose_lhs_hint = false} : vector<2000x128xf32>, vector<128x128xf32>, vector<2000x128xf32> -> vector<2000x128xf32>
    %mul3A = vector.broadcast %rsqrt3A : vector<2000x1xf32> to vector<2000x128xf32>
    %mul3A_15 = arith.mulf %dot_general3A_14, %mul3A : vector<2000x128xf32>
    %swap3A = arith.constant 0 : index
    %swap3A_16 = arith.constant 0 : index
    %swap3A_17 = vector.load %arg5[%swap3A, %swap3A_16] : memref<2000x128xf32, #tpu.memory_space<vmem>>, vector<2000x128xf32>
    tpu.vector_store %arg5[%swap3A, %swap3A_16], %mul3A_15 {strides = array<i32>} : memref<2000x128xf32, #tpu.memory_space<vmem>>, vector<2000x128xf32>,
    %swap3A_18 = arith.constant 0 : index
    %swap3A_19 = arith.constant 0 : index
    %swap3A_20 = vector.load %arg6[%swap3A_18, %swap3A_19] : memref<2000x1xf32, #tpu.memory_space<vmem>>, vector<2000x1xf32>
    tpu.vector_store %arg6[%swap3A_18, %swap3A_19], %rsqrt3A {strides = array<i32>} : memref<2000x1xf32, #tpu.memory_space<vmem>>, vector<2000x1xf32>,
    return
  }
  func.func @transform_0(%arg0: i32) -> (i32, i32) {
    %c0_i32 = arith.constant 0 : i32
    %c0_i32_0 = arith.constant 0 : i32
    return %arg0, %c0_i32 : i32, i32
  }
  func.func @transform_1(%arg0: i32) -> (i32, i32) {
    %c0_i32 = arith.constant 0 : i32
    %c0_i32_0 = arith.constant 0 : i32
    return %arg0, %c0_i32 : i32, i32
  }
  func.func @transform_2(%arg0: i32) -> (i32, i32) {
    %c0_i32 = arith.constant 0 : i32
    %c0_i32_0 = arith.constant 0 : i32
    return %arg0, %c0_i32 : i32, i32
  }
  func.func @transform_3(%arg0: i32) -> (i32, i32) {
    %c0_i32 = arith.constant 0 : i32
    %c0_i32_0 = arith.constant 0 : i32
    %c0_i32_1 = arith.constant 0 : i32
    return %c0_i32, %c0_i32_0 : i32, i32
  }
  func.func @transform_4(%arg0: i32) -> (i32, i32) {
    %c0_i32 = arith.constant 0 : i32
    %c0_i32_0 = arith.constant 0 : i32
    return %arg0, %c0_i32 : i32, i32
  }
  func.func @transform_5(%arg0: i32) -> (i32, i32) {
    %c0_i32 = arith.constant 0 : i32
    %c0_i32_0 = arith.constant 0 : i32
    return %arg0, %c0_i32 : i32, i32
  }
}

module attributes {stable_mosaic.version = 14 : i64} {
  func.func @_k4_body(%arg0: i32, %arg1: memref<2000x128xf32, #tpu.memory_space<vmem>>, %arg2: memref<2000x128xf32, #tpu.memory_space<vmem>>, %arg3: memref<2000x128xf32, #tpu.memory_space<vmem>>, %arg4: memref<2000x1xf32, #tpu.memory_space<vmem>>, %arg5: memref<1x128xf32, #tpu.memory_space<vmem>>, %arg6: memref<2000x128xf32, #tpu.memory_space<vmem>>, %arg7: memref<2x128xf32, #tpu.memory_space<vmem>>, %arg8: memref<2x128xf32, #tpu.memory_space<vmem>>) attributes {dimension_semantics = [#tpu.dimension_semantics<arbitrary>], iteration_bounds = array<i64: 5>, scalar_prefetch = 0 : i64, scratch_operands = 1 : i64, tpu.core_type = #tpu.core_type<tc>, window_params = [{transform_indices = @transform_0, window_bounds = array<i64: 2000, 128>}, {transform_indices = @transform_1, window_bounds = array<i64: 2000, 128>}, {transform_indices = @transform_2, window_bounds = array<i64: 2000, 128>}, {transform_indices = @transform_3, window_bounds = array<i64: 2000, 1>}, {pipeline_mode = #tpu.pipeline_mode<synchronous>, transform_indices = @transform_4, window_bounds = array<i64: 1, 128>}, {transform_indices = @transform_5, window_bounds = array<i64: 2000, 128>}, {pipeline_mode = #tpu.pipeline_mode<synchronous>, transform_indices = @transform_6, window_bounds = array<i64: 2, 128>}]} {
    %get3A = arith.constant 0 : index
    %get3A_0 = arith.constant 0 : index
    %get3A_1 = vector.load %arg1[%get3A, %get3A_0] : memref<2000x128xf32, #tpu.memory_space<vmem>>, vector<2000x128xf32>
    %get3A_2 = arith.constant 0 : index
    %get3A_3 = arith.constant 0 : index
    %get3A_4 = vector.load %arg2[%get3A_2, %get3A_3] : memref<2000x128xf32, #tpu.memory_space<vmem>>, vector<2000x128xf32>
    %add3A = arith.addf %get3A_1, %get3A_4 : vector<2000x128xf32>
    %get3A_5 = arith.constant 0 : index
    %get3A_6 = arith.constant 0 : index
    %get3A_7 = vector.load %arg3[%get3A_5, %get3A_6] : memref<2000x128xf32, #tpu.memory_space<vmem>>, vector<2000x128xf32>
    %add3A_8 = arith.addf %add3A, %get3A_7 : vector<2000x128xf32>
    %get3A_9 = arith.constant 0 : index
    %get3A_10 = arith.constant 0 : index
    %get3A_11 = vector.load %arg4[%get3A_9, %get3A_10] : memref<2000x1xf32, #tpu.memory_space<vmem>>, vector<2000x1xf32>
    %mul3A = vector.broadcast %get3A_11 : vector<2000x1xf32> to vector<2000x128xf32>
    %mul3A_12 = arith.mulf %add3A_8, %mul3A : vector<2000x128xf32>
    %get3A_13 = arith.constant 0 : index
    %get3A_14 = arith.constant 0 : index
    %get3A_15 = vector.load %arg5[%get3A_13, %get3A_14] : memref<1x128xf32, #tpu.memory_space<vmem>>, vector<1x128xf32>
    %add3A_16 = vector.broadcast %get3A_15 : vector<1x128xf32> to vector<2000x128xf32>
    %add3A_17 = arith.addf %mul3A_12, %add3A_16 : vector<2000x128xf32>
    %swap3A = arith.constant 0 : index
    %swap3A_18 = arith.constant 0 : index
    %swap3A_19 = vector.load %arg6[%swap3A, %swap3A_18] : memref<2000x128xf32, #tpu.memory_space<vmem>>, vector<2000x128xf32>
    tpu.vector_store %arg6[%swap3A, %swap3A_18], %add3A_17 {strides = array<i32>} : memref<2000x128xf32, #tpu.memory_space<vmem>>, vector<2000x128xf32>,
    %eq3A = arith.constant 0 : i32
    %eq3A_20 = arith.cmpi eq, %arg0, %eq3A : i32
    %convert_element_type3A = arith.extui %eq3A_20 : i1 to i32
    %cond3A = arith.constant 0 : i32
    %cond3A_21 = arith.cmpi ne, %convert_element_type3A, %cond3A : i32
    scf.if %cond3A_21 {
      %broadcast_in_dim3A_40 = arith.constant 0.000000e+00 : f32
      %broadcast_in_dim3A_41 = vector.broadcast %broadcast_in_dim3A_40 : f32 to vector<2x128xf32>
      %swap3A_42 = arith.constant 0 : index
      %swap3A_43 = arith.constant 0 : index
      %swap3A_44 = vector.load %arg8[%swap3A_42, %swap3A_43] : memref<2x128xf32, #tpu.memory_space<vmem>>, vector<2x128xf32>
      tpu.vector_store %arg8[%swap3A_42, %swap3A_43], %broadcast_in_dim3A_41 {strides = array<i32>} : memref<2x128xf32, #tpu.memory_space<vmem>>, vector<2x128xf32>,
    } else {
    }
    %reduce_sum3A = arith.constant dense<0.000000e+00> : vector<128xf32>
    %reduce_sum3A_22 = vector.multi_reduction <add>, %add3A_17, %reduce_sum3A [0] : vector<2000x128xf32> to vector<128xf32>
    %broadcast_in_dim3A = vector.shape_cast %reduce_sum3A_22 : vector<128xf32> to vector<1x128xf32>
    %mul3A_23 = arith.mulf %add3A_17, %add3A_17 : vector<2000x128xf32>
    %reduce_sum3A_24 = arith.constant dense<0.000000e+00> : vector<128xf32>
    %reduce_sum3A_25 = vector.multi_reduction <add>, %mul3A_23, %reduce_sum3A_24 [0] : vector<2000x128xf32> to vector<128xf32>
    %broadcast_in_dim3A_26 = vector.shape_cast %reduce_sum3A_25 : vector<128xf32> to vector<1x128xf32>
    %get3A_27 = arith.constant 0 : index
    %get3A_28 = arith.constant 0 : index
    %get3A_29 = vector.load %arg8[%get3A_27, %get3A_28] : memref<2x128xf32, #tpu.memory_space<vmem>>, vector<2x128xf32>
    %concatenate3A = tpu.concatenate %broadcast_in_dim3A, %broadcast_in_dim3A_26 in 0 : vector<1x128xf32>, vector<1x128xf32> -> vector<2x128xf32>
    %add3A_30 = arith.addf %get3A_29, %concatenate3A : vector<2x128xf32>
    %swap3A_31 = arith.constant 0 : index
    %swap3A_32 = arith.constant 0 : index
    %swap3A_33 = vector.load %arg8[%swap3A_31, %swap3A_32] : memref<2x128xf32, #tpu.memory_space<vmem>>, vector<2x128xf32>
    tpu.vector_store %arg8[%swap3A_31, %swap3A_32], %add3A_30 {strides = array<i32>} : memref<2x128xf32, #tpu.memory_space<vmem>>, vector<2x128xf32>,
    %get3A_34 = arith.constant 0 : index
    %get3A_35 = arith.constant 0 : index
    %get3A_36 = vector.load %arg8[%get3A_34, %get3A_35] : memref<2x128xf32, #tpu.memory_space<vmem>>, vector<2x128xf32>
    %swap3A_37 = arith.constant 0 : index
    %swap3A_38 = arith.constant 0 : index
    %swap3A_39 = vector.load %arg7[%swap3A_37, %swap3A_38] : memref<2x128xf32, #tpu.memory_space<vmem>>, vector<2x128xf32>
    tpu.vector_store %arg7[%swap3A_37, %swap3A_38], %get3A_36 {strides = array<i32>} : memref<2x128xf32, #tpu.memory_space<vmem>>, vector<2x128xf32>,
    return
  }
  func.func @transform_0(%arg0: i32) -> (i32, i32) {
    %c0_i32 = arith.constant 0 : i32
    %c0_i32_0 = arith.constant 0 : i32
    return %arg0, %c0_i32 : i32, i32
  }
  func.func @transform_1(%arg0: i32) -> (i32, i32) {
    %c0_i32 = arith.constant 0 : i32
    %c0_i32_0 = arith.constant 0 : i32
    return %arg0, %c0_i32 : i32, i32
  }
  func.func @transform_2(%arg0: i32) -> (i32, i32) {
    %c0_i32 = arith.constant 0 : i32
    %c0_i32_0 = arith.constant 0 : i32
    return %arg0, %c0_i32 : i32, i32
  }
  func.func @transform_3(%arg0: i32) -> (i32, i32) {
    %c0_i32 = arith.constant 0 : i32
    %c0_i32_0 = arith.constant 0 : i32
    return %arg0, %c0_i32 : i32, i32
  }
  func.func @transform_4(%arg0: i32) -> (i32, i32) {
    %c0_i32 = arith.constant 0 : i32
    %c0_i32_0 = arith.constant 0 : i32
    %c0_i32_1 = arith.constant 0 : i32
    return %c0_i32, %c0_i32_0 : i32, i32
  }
  func.func @transform_5(%arg0: i32) -> (i32, i32) {
    %c0_i32 = arith.constant 0 : i32
    %c0_i32_0 = arith.constant 0 : i32
    return %arg0, %c0_i32 : i32, i32
  }
  func.func @transform_6(%arg0: i32) -> (i32, i32) {
    %c0_i32 = arith.constant 0 : i32
    %c0_i32_0 = arith.constant 0 : i32
    %c0_i32_1 = arith.constant 0 : i32
    return %c0_i32, %c0_i32_0 : i32, i32
  }
}

module attributes {stable_mosaic.version = 14 : i64} {
  func.func @_k5_body(%arg0: i32, %arg1: memref<2000x128xf32, #tpu.memory_space<vmem>>, %arg2: memref<2x128xf32, #tpu.memory_space<vmem>>, %arg3: memref<2000x128xf32, #tpu.memory_space<vmem>>, %arg4: memref<2000x1xf32, #tpu.memory_space<vmem>>, %arg5: memref<1x128xf32, #tpu.memory_space<vmem>>, %arg6: memref<1x128xf32, #tpu.memory_space<vmem>>, %arg7: memref<128x128xf32, #tpu.memory_space<vmem>>, %arg8: memref<2000x128xf32, #tpu.memory_space<vmem>>) attributes {dimension_semantics = [#tpu.dimension_semantics<arbitrary>], iteration_bounds = array<i64: 5>, scalar_prefetch = 0 : i64, scratch_operands = 0 : i64, tpu.core_type = #tpu.core_type<tc>, window_params = [{transform_indices = @transform_0, window_bounds = array<i64: 2000, 128>}, {pipeline_mode = #tpu.pipeline_mode<synchronous>, transform_indices = @transform_1, window_bounds = array<i64: 2, 128>}, {transform_indices = @transform_2, window_bounds = array<i64: 2000, 128>}, {transform_indices = @transform_3, window_bounds = array<i64: 2000, 1>}, {pipeline_mode = #tpu.pipeline_mode<synchronous>, transform_indices = @transform_4, window_bounds = array<i64: 1, 128>}, {pipeline_mode = #tpu.pipeline_mode<synchronous>, transform_indices = @transform_5, window_bounds = array<i64: 1, 128>}, {pipeline_mode = #tpu.pipeline_mode<synchronous>, transform_indices = @transform_6, window_bounds = array<i64: 128, 128>}, {transform_indices = @transform_7, window_bounds = array<i64: 2000, 128>}]} {
    %get3A = arith.constant 0 : index
    %get3A_0 = arith.constant 0 : index
    %get3A_1 = vector.load %arg2[%get3A, %get3A_0] : memref<2x128xf32, #tpu.memory_space<vmem>>, vector<1x128xf32>
    %mul3A = arith.constant 9.99999974E-5 : f32
    %mul3A_2 = vector.broadcast %mul3A : f32 to vector<1x128xf32>
    %mul3A_3 = arith.mulf %get3A_1, %mul3A_2 : vector<1x128xf32>
    %get3A_4 = arith.constant 1 : index
    %get3A_5 = arith.constant 0 : index
    %get3A_6 = vector.load %arg2[%get3A_4, %get3A_5] : memref<2x128xf32, #tpu.memory_space<vmem>>, vector<1x128xf32>
    %mul3A_7 = arith.constant 9.99999974E-5 : f32
    %mul3A_8 = vector.broadcast %mul3A_7 : f32 to vector<1x128xf32>
    %mul3A_9 = arith.mulf %get3A_6, %mul3A_8 : vector<1x128xf32>
    %mul3A_10 = arith.mulf %mul3A_3, %mul3A_3 : vector<1x128xf32>
    %sub3A = arith.subf %mul3A_9, %mul3A_10 : vector<1x128xf32>
    %add3A = arith.constant 9.99999974E-6 : f32
    %add3A_11 = vector.broadcast %add3A : f32 to vector<1x128xf32>
    %add3A_12 = arith.addf %sub3A, %add3A_11 : vector<1x128xf32>
    %rsqrt3A = math.rsqrt %add3A_12 : vector<1x128xf32>
    %get3A_13 = arith.constant 0 : index
    %get3A_14 = arith.constant 0 : index
    %get3A_15 = vector.load %arg1[%get3A_13, %get3A_14] : memref<2000x128xf32, #tpu.memory_space<vmem>>, vector<2000x128xf32>
    %sub3A_16 = vector.broadcast %mul3A_3 : vector<1x128xf32> to vector<2000x128xf32>
    %sub3A_17 = arith.subf %get3A_15, %sub3A_16 : vector<2000x128xf32>
    %get3A_18 = arith.constant 0 : index
    %get3A_19 = arith.constant 0 : index
    %get3A_20 = vector.load %arg5[%get3A_18, %get3A_19] : memref<1x128xf32, #tpu.memory_space<vmem>>, vector<1x128xf32>
    %mul3A_21 = arith.mulf %rsqrt3A, %get3A_20 : vector<1x128xf32>
    %mul3A_22 = vector.broadcast %mul3A_21 : vector<1x128xf32> to vector<2000x128xf32>
    %mul3A_23 = arith.mulf %sub3A_17, %mul3A_22 : vector<2000x128xf32>
    %get3A_24 = arith.constant 0 : index
    %get3A_25 = arith.constant 0 : index
    %get3A_26 = vector.load %arg6[%get3A_24, %get3A_25] : memref<1x128xf32, #tpu.memory_space<vmem>>, vector<1x128xf32>
    %add3A_27 = vector.broadcast %get3A_26 : vector<1x128xf32> to vector<2000x128xf32>
    %add3A_28 = arith.addf %mul3A_23, %add3A_27 : vector<2000x128xf32>
    %max3A = arith.constant 0.000000e+00 : f32
    %max3A_29 = vector.broadcast %max3A : f32 to vector<2000x128xf32>
    %max3A_30 = arith.maximumf %add3A_28, %max3A_29 : vector<2000x128xf32>
    %get3A_31 = arith.constant 0 : index
    %get3A_32 = arith.constant 0 : index
    %get3A_33 = vector.load %arg3[%get3A_31, %get3A_32] : memref<2000x128xf32, #tpu.memory_space<vmem>>, vector<2000x128xf32>
    %add3A_34 = arith.addf %max3A_30, %get3A_33 : vector<2000x128xf32>
    %get3A_35 = arith.constant 0 : index
    %get3A_36 = arith.constant 0 : index
    %get3A_37 = vector.load %arg7[%get3A_35, %get3A_36] : memref<128x128xf32, #tpu.memory_space<vmem>>, vector<128x128xf32>
    %dot_general3A = arith.constant dense<0.000000e+00> : vector<2000x128xf32>
    %dot_general3A_38 = tpu.matmul %add3A_34, %get3A_37, %dot_general3A {dimension_numbers = #tpu.dot_dimension_numbers<[1], [0], [0], [1], [0, 0, 1, 1], [], []>, transpose_lhs_hint = false} : vector<2000x128xf32>, vector<128x128xf32>, vector<2000x128xf32> -> vector<2000x128xf32>
    %get3A_39 = arith.constant 0 : index
    %get3A_40 = arith.constant 0 : index
    %get3A_41 = vector.load %arg4[%get3A_39, %get3A_40] : memref<2000x1xf32, #tpu.memory_space<vmem>>, vector<2000x1xf32>
    %mul3A_42 = vector.broadcast %get3A_41 : vector<2000x1xf32> to vector<2000x128xf32>
    %mul3A_43 = arith.mulf %dot_general3A_38, %mul3A_42 : vector<2000x128xf32>
    %swap3A = arith.constant 0 : index
    %swap3A_44 = arith.constant 0 : index
    %swap3A_45 = vector.load %arg8[%swap3A, %swap3A_44] : memref<2000x128xf32, #tpu.memory_space<vmem>>, vector<2000x128xf32>
    tpu.vector_store %arg8[%swap3A, %swap3A_44], %mul3A_43 {strides = array<i32>} : memref<2000x128xf32, #tpu.memory_space<vmem>>, vector<2000x128xf32>,
    return
  }
  func.func @transform_0(%arg0: i32) -> (i32, i32) {
    %c0_i32 = arith.constant 0 : i32
    %c0_i32_0 = arith.constant 0 : i32
    return %arg0, %c0_i32 : i32, i32
  }
  func.func @transform_1(%arg0: i32) -> (i32, i32) {
    %c0_i32 = arith.constant 0 : i32
    %c0_i32_0 = arith.constant 0 : i32
    %c0_i32_1 = arith.constant 0 : i32
    return %c0_i32, %c0_i32_0 : i32, i32
  }
  func.func @transform_2(%arg0: i32) -> (i32, i32) {
    %c0_i32 = arith.constant 0 : i32
    %c0_i32_0 = arith.constant 0 : i32
    return %arg0, %c0_i32 : i32, i32
  }
  func.func @transform_3(%arg0: i32) -> (i32, i32) {
    %c0_i32 = arith.constant 0 : i32
    %c0_i32_0 = arith.constant 0 : i32
    return %arg0, %c0_i32 : i32, i32
  }
  func.func @transform_4(%arg0: i32) -> (i32, i32) {
    %c0_i32 = arith.constant 0 : i32
    %c0_i32_0 = arith.constant 0 : i32
    %c0_i32_1 = arith.constant 0 : i32
    return %c0_i32, %c0_i32_0 : i32, i32
  }
  func.func @transform_5(%arg0: i32) -> (i32, i32) {
    %c0_i32 = arith.constant 0 : i32
    %c0_i32_0 = arith.constant 0 : i32
    %c0_i32_1 = arith.constant 0 : i32
    return %c0_i32, %c0_i32_0 : i32, i32
  }
  func.func @transform_6(%arg0: i32) -> (i32, i32) {
    %c0_i32 = arith.constant 0 : i32
    %c0_i32_0 = arith.constant 0 : i32
    %c0_i32_1 = arith.constant 0 : i32
    return %c0_i32, %c0_i32_0 : i32, i32
  }
  func.func @transform_7(%arg0: i32) -> (i32, i32) {
    %c0_i32 = arith.constant 0 : i32
    %c0_i32_0 = arith.constant 0 : i32
    return %arg0, %c0_i32 : i32, i32
  }
}

module attributes {stable_mosaic.version = 14 : i64} {
  func.func @_k7_body(%arg0: i32, %arg1: memref<2000x128xf32, #tpu.memory_space<vmem>>, %arg2: memref<2000x128xf32, #tpu.memory_space<vmem>>, %arg3: memref<2000x128xf32, #tpu.memory_space<vmem>>, %arg4: memref<2000x1xf32, #tpu.memory_space<vmem>>, %arg5: memref<1x128xf32, #tpu.memory_space<vmem>>, %arg6: memref<2000x128xf32, #tpu.memory_space<vmem>>) attributes {dimension_semantics = [#tpu.dimension_semantics<arbitrary>], iteration_bounds = array<i64: 5>, scalar_prefetch = 0 : i64, scratch_operands = 0 : i64, tpu.core_type = #tpu.core_type<tc>, window_params = [{transform_indices = @transform_0, window_bounds = array<i64: 2000, 128>}, {transform_indices = @transform_1, window_bounds = array<i64: 2000, 128>}, {transform_indices = @transform_2, window_bounds = array<i64: 2000, 128>}, {transform_indices = @transform_3, window_bounds = array<i64: 2000, 1>}, {pipeline_mode = #tpu.pipeline_mode<synchronous>, transform_indices = @transform_4, window_bounds = array<i64: 1, 128>}, {transform_indices = @transform_5, window_bounds = array<i64: 2000, 128>}]} {
    %get3A = arith.constant 0 : index
    %get3A_0 = arith.constant 0 : index
    %get3A_1 = vector.load %arg1[%get3A, %get3A_0] : memref<2000x128xf32, #tpu.memory_space<vmem>>, vector<2000x128xf32>
    %get3A_2 = arith.constant 0 : index
    %get3A_3 = arith.constant 0 : index
    %get3A_4 = vector.load %arg2[%get3A_2, %get3A_3] : memref<2000x128xf32, #tpu.memory_space<vmem>>, vector<2000x128xf32>
    %add3A = arith.addf %get3A_1, %get3A_4 : vector<2000x128xf32>
    %get3A_5 = arith.constant 0 : index
    %get3A_6 = arith.constant 0 : index
    %get3A_7 = vector.load %arg3[%get3A_5, %get3A_6] : memref<2000x128xf32, #tpu.memory_space<vmem>>, vector<2000x128xf32>
    %add3A_8 = arith.addf %add3A, %get3A_7 : vector<2000x128xf32>
    %get3A_9 = arith.constant 0 : index
    %get3A_10 = arith.constant 0 : index
    %get3A_11 = vector.load %arg4[%get3A_9, %get3A_10] : memref<2000x1xf32, #tpu.memory_space<vmem>>, vector<2000x1xf32>
    %mul3A = vector.broadcast %get3A_11 : vector<2000x1xf32> to vector<2000x128xf32>
    %mul3A_12 = arith.mulf %add3A_8, %mul3A : vector<2000x128xf32>
    %get3A_13 = arith.constant 0 : index
    %get3A_14 = arith.constant 0 : index
    %get3A_15 = vector.load %arg5[%get3A_13, %get3A_14] : memref<1x128xf32, #tpu.memory_space<vmem>>, vector<1x128xf32>
    %add3A_16 = vector.broadcast %get3A_15 : vector<1x128xf32> to vector<2000x128xf32>
    %add3A_17 = arith.addf %mul3A_12, %add3A_16 : vector<2000x128xf32>
    %swap3A = arith.constant 0 : index
    %swap3A_18 = arith.constant 0 : index
    %swap3A_19 = vector.load %arg6[%swap3A, %swap3A_18] : memref<2000x128xf32, #tpu.memory_space<vmem>>, vector<2000x128xf32>
    tpu.vector_store %arg6[%swap3A, %swap3A_18], %add3A_17 {strides = array<i32>} : memref<2000x128xf32, #tpu.memory_space<vmem>>, vector<2000x128xf32>,
    return
  }
  func.func @transform_0(%arg0: i32) -> (i32, i32) {
    %c0_i32 = arith.constant 0 : i32
    %c0_i32_0 = arith.constant 0 : i32
    return %arg0, %c0_i32 : i32, i32
  }
  func.func @transform_1(%arg0: i32) -> (i32, i32) {
    %c0_i32 = arith.constant 0 : i32
    %c0_i32_0 = arith.constant 0 : i32
    return %arg0, %c0_i32 : i32, i32
  }
  func.func @transform_2(%arg0: i32) -> (i32, i32) {
    %c0_i32 = arith.constant 0 : i32
    %c0_i32_0 = arith.constant 0 : i32
    return %arg0, %c0_i32 : i32, i32
  }
  func.func @transform_3(%arg0: i32) -> (i32, i32) {
    %c0_i32 = arith.constant 0 : i32
    %c0_i32_0 = arith.constant 0 : i32
    return %arg0, %c0_i32 : i32, i32
  }
  func.func @transform_4(%arg0: i32) -> (i32, i32) {
    %c0_i32 = arith.constant 0 : i32
    %c0_i32_0 = arith.constant 0 : i32
    %c0_i32_1 = arith.constant 0 : i32
    return %c0_i32, %c0_i32_0 : i32, i32
  }
  func.func @transform_5(%arg0: i32) -> (i32, i32) {
    %c0_i32 = arith.constant 0 : i32
    %c0_i32_0 = arith.constant 0 : i32
    return %arg0, %c0_i32 : i32, i32
  }
}

</mosaic_0001>

<sc_bundles>
// kernel: kernel.12.cloned.1.call-start
scs
__scs_entry_jumppad:
0x0: {  	(pc) =	sbr.rel $0x88, $3  }
0x1: {  	(tag) =	ssettag $0x0;
	lr =	simm.s32 $0x1  }
0x2: {  	[smem:$0x3F99] =	sst lr;
	_ =	strace $0xD0000000  }
0x3: {  	_ = 	snop  }
0x4: {  	_ = 	snop  }
0x5: {  	_ = 	snop  }
0x6: {  	_ = 	snop  }
0x7: {  	_ = 	snop  }
__scs_overlays_trampoline_lowered:
0x8: {  	[smem:$0x3FA8] =	sst s0  }
0x9: {  	[smem:$0x3FA9] =	sst s1  }
0xa: {  	[smem:$0x3FAA] =	sst s2  }
0xb: {  	[smem:$0x3FAB] =	sst s3  }
0xc: {  	[smem:$0x3FAC] =	sst s4  }
0xd: {  	[smem:$0x3FAD] =	sst s5  }
0xe: {  	[smem:$0x3FAE] =	sst s6  }
0xf: {  	[smem:$0x3FAF] =	sst s7  }
0x10: {  	[smem:$0x3FB0] =	sst s8  }
0x11: {  	[smem:$0x3FB1] =	sst s9;
	s0 =	simm.s32 @!p0 $0x0  }
0x12: {  	s1 =	sld [smem:$0x3F97];
	s0 =	simm.s32 @p0 $0x1  }
0x13: {  	[smem:$0x3FB2] =	sst s0;
	s0 =	simm.s32 @!p1 $0x0  }
0x14: {  	s2 =	sld [smem:$0x3F96];
	s0 =	simm.s32 @p1 $0x1  }
0x15: {  	[smem:$0x3FB3] =	sst s0;
	s0 =	simm.s32 @!p2 $0x0  }
0x16: {  	s3 =	sld [smem:$0x3FDB];
	s0 =	simm.s32 @p2 $0x1  }
0x17: {  	s4 =	simm.s32 $0x1BF5;
	[smem:$0x3FB5] =	sst s0  }
0x18: {  	s0 =	sld [smem:$0x3F98];
	_ =	swait.ge [sflag:s4], $0x0  }
0x19: {  	s7 =	sld [smem:$0x3F99]  }
0x1a: {  	s8 =	sadd.s32 $0xFFFFE003, lr  }
0x1b: {  	s9 =	sadd.s32 $0xFFFFFEF7, lr;
	s5 =	simm.s32 $0xFFFFFFFF;
	p2 =	slt.u32 s8, $0xFFFFF086  }
0x1c: {  	p1 =	slt.u32 s9, $0xF7A;
	s5 =	simm.s32 @!p2 $0x0  }
0x1d: {  	s5 =	simm.s32 @p1 $0x1;
	p0 =	seq.s32 s7, s2  }
0x1e: {  	s7 =	smul.u32 @!p0 $0xF7A, s2;
	p2 =	seq.s32 @!p0 s5, $0x0  }
0x1f: {  	s9 =	smul.u32 $0xF7A, s1;
	s8 =	simm.s32 @!p0 $0x1BF5;
	p2 =	por !p2, p0  }
0x20: {  	[sflag:s8] =	ssyncset.s32 @!p0 $0xFFFFF086;
	s6 =	sadd.s32 @!p0 s3, s7;
	s7 =	simm.s32 @!p0 $0x108  }
0x21: {  	s3 =	sadd.s32 s3, s9;
	s6 =	sadd.s32 @!p0 $0x88, s6;
	s7 =	simm.s32 @p2 $0x1082  }
0x22: {  	[simem:s7], [sflag:s8] =	dma.local @!p0 [hbm:s6], $0xF7A  }
0x23: {  	s9 =	sor.u32 $0xD0000000, s2;
	s6 =	simm.s32 $0x108;
	_ =	swait.ge @!p0 [sflag:s8], $0x0  }
0x24: {  	s3 =	sadd.s32 $0x88, s3;
	s6 =	simm.s32 @!p1 $0x1082;
	[sflag:s4] =	ssyncset.s32 $0xFFFFF086  }
0x25: {  	[simem:s6], [sflag:s4] =	dma.local [hbm:s3], $0xF7A  }
0x26: {  	[smem:$0x3F99] =	sst s1;
	(tag) =	ssettag s2;
	_ =	strace s9  }
0x27: {  	s1 =	sld [smem:$0x3FA9]  }
0x28: {  	s2 =	sld [smem:$0x3FAA]  }
0x29: {  	s4 =	sld [smem:$0x3FAC]  }
0x2a: {  	p0 =	seq.s32 s5, $0x0;
	s5 =	sld [smem:$0x3FAD]  }
0x2b: {  	s6 =	sld [smem:$0x3FAE]  }
0x2c: {  	s7 =	sld [smem:$0x3FAF]  }
0x2d: {  	s3 =	simm.s32 $0x108;
	s8 =	sld [smem:$0x3FB0]  }
0x2e: {  	s3 =	simm.s32 @!p0 $0x1082;
	s9 =	sld [smem:$0x3FB1]  }
0x2f: {  	lr =	sadd.s32 s0, s3;
	s0 =	sld [smem:$0x3FA8]  }
0x30: {  	s3 =	sld [smem:$0x3FAB]  }
0x31: {  	[smem:$0x3FB4] =	sst s10  }
0x32: {  	s10 =	sld [smem:$0x3FB2];
	_ =	sdelay $0x3  }
0x33: {  	p0 =	seq.s32 s10, $0x1;
	s10 =	sld [smem:$0x3FB4];
	_ =	sdelay $0x3  }
0x34: {  	[smem:$0x3FB4] =	sst s10  }
0x35: {  	s10 =	sld [smem:$0x3FB3];
	_ =	sdelay $0x3  }
0x36: {  	p1 =	seq.s32 s10, $0x1;
	s10 =	sld [smem:$0x3FB4];
	_ =	sdelay $0x3  }
0x37: {  	[smem:$0x3FB4] =	sst s10  }
0x38: {  	s10 =	sld [smem:$0x3FB5]  }
0x39: {  	_ = 	snop;
	(pc) =	sbr.ind lr, $3  }
0x3a: {  	_ = 	snop  }
0x3b: {  	_ = 	snop  }
0x3c: {  	p2 =	seq.s32 s10, $0x1;
	s10 =	sld [smem:$0x3FB4]  }
0x3d: {  	_ =	shalt  }
0x3e: {  	_ =	shalt  }
0x3f: {  	_ =	shalt  }
0x40: {  	_ =	shalt  }
0x41: {  	_ =	shalt  }
0x42: {  	_ =	shalt  }
0x43: {  	_ =	shalt  }
0x44: {  	_ =	shalt  }
0x45: {  	_ =	shalt  }
0x46: {  	_ =	shalt  }
0x47: {  	_ =	shalt  }
0x48: {  	_ =	shalt  }
0x49: {  	_ =	shalt  }
0x4a: {  	_ =	shalt  }
0x4b: {  	_ =	shalt  }
0x4c: {  	_ =	shalt  }
0x4d: {  	_ =	shalt  }
0x4e: {  	_ =	shalt  }
0x4f: {  	_ =	shalt  }
0x50: {  	_ =	shalt  }
0x51: {  	_ =	shalt  }
0x52: {  	_ =	shalt  }
0x53: {  	_ =	shalt  }
0x54: {  	_ =	shalt  }
0x55: {  	_ =	shalt  }
0x56: {  	_ =	shalt  }
0x57: {  	_ =	shalt  }
0x58: {  	_ =	shalt  }
0x59: {  	_ =	shalt  }
0x5a: {  	_ =	shalt  }
0x5b: {  	_ =	shalt  }
0x5c: {  	_ =	shalt  }
0x5d: {  	_ =	shalt  }
0x5e: {  	_ =	shalt  }
0x5f: {  	_ =	shalt  }
0x60: {  	_ =	shalt  }
0x61: {  	_ =	shalt  }
0x62: {  	_ =	shalt  }
0x63: {  	_ =	shalt  }
0x64: {  	_ =	shalt  }
0x65: {  	_ =	shalt  }
0x66: {  	_ =	shalt  }
0x67: {  	_ =	shalt  }
0x68: {  	_ =	shalt  }
0x69: {  	_ =	shalt  }
0x6a: {  	_ =	shalt  }
0x6b: {  	_ =	shalt  }
0x6c: {  	_ =	shalt  }
0x6d: {  	_ =	shalt  }
0x6e: {  	_ =	shalt  }
0x6f: {  	_ =	shalt  }
0x70: {  	_ =	shalt  }
0x71: {  	_ =	shalt  }
0x72: {  	_ =	shalt  }
0x73: {  	_ =	shalt  }
0x74: {  	_ =	shalt  }
0x75: {  	_ =	shalt  }
0x76: {  	_ =	shalt  }
0x77: {  	_ =	shalt  }
0x78: {  	_ =	shalt  }
0x79: {  	_ =	shalt  }
0x7a: {  	_ =	shalt  }
0x7b: {  	_ =	shalt  }
0x7c: {  	_ =	shalt  }
0x7d: {  	_ =	shalt  }
0x7e: {  	_ =	shalt  }
0x7f: {  	_ =	shalt  }
0x80: {  	_ =	shalt  }
0x81: {  	_ =	shalt  }
0x82: {  	_ =	shalt  }
0x83: {  	_ =	shalt  }
0x84: {  	_ =	shalt  }
0x85: {  	_ =	shalt  }
0x86: {  	_ =	shalt  }
0x87: {  	_ =	shalt  }
.Lfunc_end0:
.L_simem_size_0:
called_computation.1_lowered:
.L_overlay_start_0:
0x88: {  	s2 =	sld [smem:$0x3FD9]  }
0x89: {  	s3 =	sld [smem:$0x3FFE];
	_ =	sdelay $0x1  }
0x8a: {  	s1 =	srdreg.scid  }
0x8b: {  	s0 =	sand.u32 $0x1, s1  }
0x8c: {  	s17 =	sshll.u32 s0, $0xA;
	s2 =	sadd.s32 s3, s2  }
0x8d: {  	s2 =	sadd.s32 s2, s17  }
0x8e: {  	[smem:$0x3FC0] =	sst s2  }
0x8f: {  	_ = 	snop  }
0x90: {  	s2 =	sld [smem:$0x3FD0];
	(tm) =	ssettm $0x1  }
0x91: {  	s18 =	sld [smem:$0x3FFB];
	_ =	sdelay $0x3  }
0x92: {  	_ =	strace s18  }
0x93: {  	s3 =	sld [smem:$0x3FFC];
	_ =	sdelay $0x3  }
0x94: {  	_ =	strace s3  }
0x95: {  	s3 =	sld [smem:$0x3FFD];
	_ =	sdelay $0x3  }
0x96: {  	_ =	strace s3  }
0x97: {  	_ =	strace $0x8FFFFFFF  }
0x98: {  	s19 =	sld [smem:$0x3FDB];
	_ =	sdelay $0x1  }
0x99: {  	s4 =	simm.s32 $_scs_section_size  }
0x9a: {  	s5 =	simm.s32 $_size__tile_overlayer_lowered;
	s6 =	simm.s32 $_tile_overlayer_lowered  }
0x9b: {  	s22 =	simm.s32 $0x1BFF;
	s21 =	sshll.u32 s6, $0x1;
	s3 =	sadd.s32 s4, s19  }
0x9c: {  	s7 =	simm.s32 $0x0;
	s20 =	sshll.u32 s5, $0x1;
	s5 =	sadd.s32 s21, s3  }
0x9d: {  	[timem:s7], [sflag:s22] =	dma.local [hbm:s5], s20  }
0x9e: {  	_ =	swait.ge [sflag:s22], s20  }
0x9f: {  	s4 =	ssub.s32 $0x0, s20;
	[sflag:s22] =	ssyncset.done $0x0  }
0xa0: {  	[sflag:s22] =	ssyncadd.s32 s4;
	_ =	sdelay $0x1  }
0xa1: {  	s23 =	simm.s32 $0x1B8B  }
0xa2: {  	_ =	swait.ge [sflag:s23], $0x1  }
0xa3: {  	[sflag:s23] =	ssyncset.done $0x0  }
0xa4: {  	s25 =	simm.s32 $0x1B8E;
	s24 =	sld [smem:$0x3FFE];
	[sflag:s23] =	ssyncadd.s32 $0xFFFFFFFF  }
0xa5: {  	s26 =	simm.s32 $execute0_lowered;
	[smem:$0x3FD2] =	sst s25  }
0xa6: {  	s5 =	sshll.u32 s26, $0x1;
	_ =	strace $0x80000049;
	[dreg:$0x1] =	wrdreg $0xFFFFFFFF  }
0xa7: {  	s28 =	simm.s32 $_size_execute0_lowered;
	s3 =	sadd.s32 s3, s5;
	[dreg:$0x0] =	wrdreg $0x0  }
0xa8: {  	s5 =	sshll.u32 s28, $0x1;
	[dreg:$0x2] =	wrdreg s3  }
0xa9: {  	[dreg:$0x3] =	wrdreg s5  }
0xaa: {  	[dreg:$0x4] =	wrdreg $0xC0  }
0xab: {  	_ =	task [dreg:s7], $0x5FFFF  }
0xac: {  	[dreg:$0x1] =	wrdreg $0xFFFFFFFF  }
0xad: {  	[dreg:$0x0] =	wrdreg $0x60  }
0xae: {  	[dreg:$0x2] =	wrdreg s2  }
0xaf: {  	[dreg:$0x3] =	wrdreg s24  }
0xb0: {  	[dreg:$0x4] =	wrdreg $0xA9000  }
0xb1: {  	[dreg:$0x5] =	wrdreg $0x9  }
0xb2: {  	_ =	task.clear_ibuf [dreg:s7], $0x6FFFF;
	_ =	strace $0x90000049  }
0xb3: {  	s29 =	simm.s32 $0x9;
	_ =	strace $0x8000004B  }
0xb4: {  	_ =	swait.ge [sflag:s29], $0x1  }
0xb5: {  	[sflag:s29] =	ssyncadd.s32 $0xFFFFFFFF  }
0xb6: {  	_ =	strace $0x9000004B  }
0xb7: {  	_ =	sfence  }
0xb8: {  	s30 =	sld [smem:$0x0];
	_ =	sdelay $0x2  }
0xb9: {  	s31 =	sshll.u32 s1, $0xD;
	s1 =	sshrl.u32 s1, $0x2  }
0xba: {  	s3 =	sand.u32 $0x4000, s31;
	s1 =	sadd.s32 s1, s30  }
0xbb: {  	s0 =	sor.u32 s3, s0;
	s1 =	sshll.u32 s1, $0x11  }
0xbc: {  	s0 =	sor.u32 s1, s0  }
0xbd: {  	s0 =	sadd.s32 $0x8F2B, s0  }
0xbe: {  	[sflag:s0] =	ssyncadd.remote.s32 $0x1  }
0xbf: {  	_ =	sfence.sel $0xFFFF  }
0xc0: {  	[dreg:$0x0] =	wrdreg $0xFFFFFFFF;
	(pc) =	sbr.abs _section_cstart, $3  }
0xc1: {  	[dreg:$0x1] =	wrdreg $0xFFFFFFFF  }
0xc2: {  	_ =	task.clear_ibuf [dreg:s7], $0x2FFFF;
	_ =	strace $0x9FFFFFFF  }
0xc3: {  	(tm) =	ssettm $0x7FFFFFFF  }
tec
execute0_lowered:
.L_overlay_start_1:
0x0: {  	(tag) =	ssettag $0x1  }
0x1: {  	s1 =	rddreg [dreg:$0x0]  }
0x2: {  	s5 =	rddreg [dreg:$0x1]  }
0x3: {  	s0 =	srdreg.scid;
	s3 =	rddreg [dreg:$0x2];
	s20 =	simm.s32 $0x2900  }
0x4: {  	s2 =	sand.u32 $0x1, s0;
	s0 =	stileid.u32;
	s18 =	sadd.s32 $0xFA00, s5  }
0x5: {  	s19 =	sadd.s32 $0x40C00, s5;
	s26 =	sadd.s32 $0x12C000, s3;
	s4 =	sshll.u32 s2, $0x4  }
0x6: {  	s23 =	smul.u32 $0x50000, s0;
	s9 =	ssub.s32 $0x2, s2;
	p0 =	seq.s32 s2, $0x0  }
0x7: {  	p2 =	sne.s32 s0, $0xF;
	p3 =	seq.s32 s0, $0xF;
	s16 =	smul.u32 $0x2800, s0  }
0x8: {  	s25 =	smul.u32 $0x28000, s2;
	s6 =	sor.u32 s0, s4;
	s4 =	simm.s32 $0x0  }
0x9: {  	s10 =	sshrl.u32 s9, $0x1;
	p1 =	por !p0, !p2;
	s15 =	simm.s32 @!p3 $0x0  }
0xa: {  	p0 =	por !p0, !p3;
	s7 =	smul.u32 $0x500, s6;
	[smem:$0x7FF] =	sst s4  }
0xb: {  	s11 =	smul.u32 $0x2800, s6;
	s6 =	sadd.s32 $0x67E00, s5;
	s24 =	ssub.s32 s9, s10  }
0xc: {  	s15 =	simm.s32 @p3 $0x1;
	p1 =	por !p1, !p1;
	p0 =	por !p0, !p0  }
0xd: {  	s28 =	sadd.s32 s16, s25;
	_ =	strace $0x8000004A;
	[smem:$0x7FB] =	sst s15  }
0xe: {  	s29 =	sadd.s32 s19, s16;
	s25 =	sshrl.u32 s26, $0x3;
	[dreg:$0x4] =	wrdreg s19  }
0xf: {  	s26 =	simm.s32 $0x0;
	s17 =	simm.s32 @!p0 $0x0;
	[dreg:$0x5] =	wrdreg s29  }
0x10: {  	s30 =	sor.u32 $0x100, s28;
	s16 =	sadd.s32 s6, s16;
	s19 =	simm.s32 $0x5  }
0x11: {  	s8 =	sadd.s32 s7, s5;
	s7 =	sshrl.u32 s23, $0x2;
	s12 =	sshrl.u32 s11, $0x3  }
0x12: {  	s17 =	simm.s32 @p0 $0x1;
	p0 =	seq.s32 s2, $0x1;
	s31 =	sshrl.u32 s30, $0x3  }
0x13: {  	s23 =	simm.s32 $0x80;
	s7 =	sadd.s32 s7, s3;
	s8 =	sadd.s32 $0x5A00, s8  }
.Ltmp0:
0x14: {  	s12 =	sadd.s32 s18, s12;
	[smem:$0x7FC] =	sst s17;
	(pc) =	sbr.rel .LBB2_1-.Ltmp0, $4  }
0x15: {  	s17 =	simm.s32 @!p0 $0x0;
	s18 =	sadd.s32 s31, s18;
	s9 =	sadd.s32 $0x4000, s7  }
0x16: {  	s10 =	sadd.s32 $0x8000, s7;
	s11 =	sadd.s32 $0xC000, s7;
	s13 =	sadd.s32 $0x10000, s7  }
0x17: {  	s14 =	sadd.s32 $0x10, s12;
	s17 =	simm.s32 @p0 $0x1;
	p0 =	por !p2, !p0  }
0x18: {  	v0 =	vimm.f32 $0.0e+00;
	[smem:$0x7FD] =	sst s17;
	p4 =	por !p0, !p0;
	s17 =	smax.u32 s24, $0x1  }
.LBB2_9:
0x19: {  	s5 =	sshll.u32 s5, $0x6  }
0x1a: {  	s2 =	sadd.s32 $0x25800, s2;
	s5 =	sor.u32 $0x1C05, s5  }
0x1b: {  	[hbm:s2], [sflag:s5] =	dma.local [spmem:s25], $0x1900  }
0x1c: {  	_ =	swait.ge [sflag:s19], $0x1900  }
0x1d: {  	[sflag:s19] =	ssyncset.done $0x0  }
0x1e: {  	[sflag:s19] =	ssyncadd.s32 $0xFFFFE700  }
.LBB2_10:
0x1f: {  	s26 =	sadd.s32 $0x1, s26  }
0x20: {  	p0 =	sne.s32 s26, s17  }
.Ltmp1:
0x21: {  	_ = 	snop;
	(pc) =	sbr.rel @!p0 .LBB2_11-.Ltmp1, $1  }
0x22: {  	_ =	sdelay $0x3  }
.LBB2_1:
0x23: {  	[tilespmem:s4], [sflag:$0x5] =	stream.linear.gather [hbm4b:s8+s4], $0x2800, $0x38;
	[tilespmem:$0x1E900] =	vst v63  }
0x24: {  	s2 =	simm.s32 $0x0  }
0x25: {  	s5 =	sand.u32 $0xFFFFFF80, s2  }
0x26: {  	_ =	swait.ge [sflag:s19], $0x2800;
	s5 =	ssub.s32 $0x0, s5  }
0x27: {  	s2 =	sand.u32 $0x3FFFFF80, s2;
	[sflag:s19] =	ssyncset.done $0x0;
	s5 =	sand.u32 $0xFFFFFF80, s5  }
0x28: {  	s28 =	sand.u32 $0x70, s4;
	[sflag:s19] =	ssyncadd.s32 $0xFFFFD800;
	s5 =	sadd.s32 s5, s2  }
0x29: {  	s2 =	simm.s32 $0x1;
	s5 =	sor.u32 s28, s5;
	s28 =	simm.s32 $0x0  }
.LBB2_2:
0x2a: {  	s29 =	sshll.u32 s2, $0x4;
	p0 =	sne.s32 s2, $0x3FF;
	s2 =	sadd.s32 $0x1, s2;
	[tilespmem:s5+$0x2900] =	vst v0  }
.Ltmp2:
0x2b: {  	s28 =	sadd.s32 $0x10, s28;
	s5 =	sand.u32 $0xFFFFFF80, s29;
	(pc) =	sbr.rel @p0 .LBB2_2-.Ltmp2, $4  }
0x2c: {  	s5 =	ssub.s32 s28, s5  }
0x2d: {  	s29 =	sand.u32 $0x3FFFFF80, s29;
	s5 =	sand.u32 $0xFFFFFF80, s5  }
0x2e: {  	s30 =	sand.u32 $0x70, s28;
	s5 =	sadd.s32 s5, s29  }
0x2f: {  	s5 =	sor.u32 s30, s5  }
0x30: {  	[tilespmem:s5+$0x2900] =	vst v0  }
0x31: {  	[spmem:s7] =	stream.linear.scatter [tilespmem:s20], [sflag:$0x5], $0x4000, $0x38;
	[tilespmem:$0x1E900] =	vst v63  }
0x32: {  	_ =	swait.ge [sflag:s19], $0x4000  }
0x33: {  	[sflag:s19] =	ssyncset.done $0x0  }
0x34: {  	[sflag:s19] =	ssyncadd.s32 $0xFFFFC000  }
0x35: {  	[spmem:s9] =	stream.linear.scatter [tilespmem:s20], [sflag:$0x5], $0x4000, $0x38;
	[tilespmem:$0x1E900] =	vst v63  }
0x36: {  	_ =	swait.ge [sflag:s19], $0x4000  }
0x37: {  	[sflag:s19] =	ssyncset.done $0x0  }
0x38: {  	[sflag:s19] =	ssyncadd.s32 $0xFFFFC000  }
0x39: {  	[spmem:s10] =	stream.linear.scatter [tilespmem:s20], [sflag:$0x5], $0x4000, $0x38;
	[tilespmem:$0x1E900] =	vst v63  }
0x3a: {  	_ =	swait.ge [sflag:s19], $0x4000  }
0x3b: {  	[sflag:s19] =	ssyncset.done $0x0  }
0x3c: {  	[sflag:s19] =	ssyncadd.s32 $0xFFFFC000  }
0x3d: {  	[spmem:s11] =	stream.linear.scatter [tilespmem:s20], [sflag:$0x5], $0x4000, $0x38;
	[tilespmem:$0x1E900] =	vst v63  }
0x3e: {  	_ =	swait.ge [sflag:s19], $0x4000  }
0x3f: {  	[sflag:s19] =	ssyncset.done $0x0  }
0x40: {  	[sflag:s19] =	ssyncadd.s32 $0xFFFFC000  }
0x41: {  	[spmem:s13] =	stream.linear.scatter [tilespmem:s20], [sflag:$0x5], $0x4000, $0x38;
	[tilespmem:$0x1E900] =	vst v63  }
0x42: {  	_ =	swait.ge [sflag:s19], $0x4000  }
0x43: {  	[sflag:s19] =	ssyncset.done $0x0  }
0x44: {  	s2 =	simm.s32 $0x0;
	s21 =	simm.s32 $0x2800;
	[sflag:s19] =	ssyncadd.s32 $0xFFFFC000  }
0x45: {  	[tilespmem:s21], [sflag:$0x3] =	stream.linear.gather [hbm4b:s12+s2], $0x80, $0x38;
	[tilespmem:$0x1E900] =	vst v63  }
0x46: {  	s22 =	simm.s32 $0x2880  }
0x47: {  	[tilespmem:s22], [sflag:$0x4] =	stream.linear.gather [hbm4b:s14+s2], $0x80, $0x38;
	[tilespmem:$0x1E900] =	vst v63  }
0x48: {  	_ = 	snop  }
0x49: {  	[tilespmem:s20], [sflag:$0x1] =	stream.indirect.gather [hbm4b:s1+s23], $0x80, s2, s23, $0xb8;
	[tilespmem:$0x1E900] =	vst v63  }
0x4a: {  	s2 =	sand.u32 $0x1, s2  }
0x4b: {  	s24 =	simm.s32 $0x6900;
	p2 =	seq.s32 s2, $0x1  }
0x4c: {  	[tilespmem:s24], [sflag:$0x2] =	stream.indirect.gather [hbm4b:s1+s23], $0x80, s23, s23, $0xb8;
	[tilespmem:$0x1E900] =	vst v63  }
0x4d: {  	s2 =	simm.s32 @p2 $0x4;
	[bflag:$0x0] =	sbarrier.arrive $0xFFFF  }
0x4e: {  	_ =	swait.ge @p2 [sflag:s2], $0x80  }
0x4f: {  	[sflag:s2] =	ssyncset.done @p2 $0x0  }
0x50: {  	[sflag:s2] =	ssyncadd.s32 @p2 $0xFFFFFF80;
	s2 =	simm.s32 @p2 $0x2  }
0x51: {  	_ =	swait.ge @p2 [sflag:s2], $0x4000  }
0x52: {  	s5 =	simm.s32 @p2 $0x6900;
	s28 =	simm.s32 @p2 $0x5;
	[sflag:s2] =	ssyncset.done @p2 $0x0  }
0x53: {  	s29 =	simm.s32 @p2 $0x2880;
	[sflag:s2] =	ssyncadd.s32 @p2 $0xFFFFC000;
	s2 =	simm.s32 @p2 $0x80  }
0x54: {  	[spmem:s3] =	stream.indirect.scatter.add.f32 @p2 [tilespmem:s5], [sflag:$0x5], $0x80, s29, s2, $0xb8;
	[tilespmem:$0x1E900] =	vst v63  }
0x55: {  	p0 =	por @p2 $0x0, $0x0;
	_ =	swait.ge @p2 [sflag:s28], $0x4000  }
0x56: {  	s31 =	simm.s32 $0x100;
	p0 =	por p0, !p2;
	[sflag:s28] =	ssyncset.done @p2 $0x0  }
0x57: {  	s2 =	simm.s32 @!p0 $0x0;
	s5 =	simm.s32 @!p0 $0x2880;
	[sflag:s28] =	ssyncadd.s32 @p2 $0xFFFFC000  }
0x58: {  	[tilespmem:s5], [sflag:$0x4] =	stream.linear.gather @!p0 [hbm4b:s18+s2], $0x80, $0x38;
	[tilespmem:$0x1E900] =	vst v63  }
0x59: {  	s28 =	simm.s32 @!p2 $0x3;
	s2 =	simm.s32 @!p0 $0x80;
	s5 =	simm.s32 @!p0 $0x6900  }
0x5a: {  	[tilespmem:s5], [sflag:$0x2] =	stream.indirect.gather @!p0 [hbm4b:s1+s2], $0x80, s31, s2, $0xb8;
	[tilespmem:$0x1E900] =	vst v63  }
0x5b: {  	_ =	swait.ge @!p2 [sflag:s28], $0x80  }
0x5c: {  	[sflag:s28] =	ssyncset.done @!p2 $0x0  }
0x5d: {  	s2 =	simm.s32 @!p2 $0x1;
	[sflag:s28] =	ssyncadd.s32 @!p2 $0xFFFFFF80  }
0x5e: {  	s29 =	simm.s32 @!p2 $0x2800;
	_ =	swait.ge @!p2 [sflag:s2], $0x4000  }
0x5f: {  	s5 =	simm.s32 @!p2 $0x2900;
	p0 =	por @!p2 $0x0, $0x0;
	[sflag:s2] =	ssyncset.done @!p2 $0x0  }
0x60: {  	s28 =	simm.s32 @!p2 $0x5;
	[sflag:s2] =	ssyncadd.s32 @!p2 $0xFFFFC000;
	s2 =	simm.s32 @!p2 $0x80  }
0x61: {  	[spmem:s3] =	stream.indirect.scatter.add.f32 @!p2 [tilespmem:s5], [sflag:$0x5], $0x80, s29, s2, $0xb8;
	[tilespmem:$0x1E900] =	vst v63  }
0x62: {  	p0 =	por p0, p2;
	_ =	swait.ge @!p2 [sflag:s28], $0x4000  }
0x63: {  	s30 =	simm.s32 $0x1;
	s2 =	simm.s32 @!p0 $0x0;
	[sflag:s28] =	ssyncset.done @!p2 $0x0  }
0x64: {  	s5 =	simm.s32 @!p0 $0x2800;
	s29 =	sadd.s32 $0x10, s18;
	[sflag:s28] =	ssyncadd.s32 @!p2 $0xFFFFC000  }
0x65: {  	[tilespmem:s5], [sflag:$0x3] =	stream.linear.gather @!p0 [hbm4b:s18+s2], $0x80, $0x38;
	[tilespmem:$0x1E900] =	vst v63  }
0x66: {  	s28 =	simm.s32 $0x180;
	s2 =	simm.s32 $0x2;
	s5 =	sand.u32 $0x1, s30  }
.LBB2_4:
0x67: {  	p5 =	seq.s32 s5, $0x1;
	s5 =	simm.s32 @!p0 $0x80;
	s21 =	simm.s32 @!p0 $0x2900  }
0x68: {  	p3 =	sgt.u32 @p5 s30, $0x4D;
	s22 =	simm.s32 @p5 $0x4;
	p6 =	sgt.u32 @!p5 s30, $0x4D  }
0x69: {  	[tilespmem:s21], [sflag:$0x1] =	stream.indirect.gather @!p0 [hbm4b:s1+s5], $0x80, s31, s5, $0xb8;
	[tilespmem:$0x1E900] =	vst v63  }
0x6a: {  	s30 =	smov.u32 s2;
	s2 =	sadd.s32 $0x1, s2;
	_ =	swait.ge @p5 [sflag:s22], $0x80  }
0x6b: {  	p2 =	sne.s32 s2, $0x50;
	s31 =	smov.u32 s28;
	[sflag:s22] =	ssyncset.done @p5 $0x0  }
0x6c: {  	s5 =	simm.s32 @p5 $0x2;
	s21 =	smov.u32 s29;
	[sflag:s22] =	ssyncadd.s32 @p5 $0xFFFFFF80  }
0x6d: {  	_ =	swait.ge @p5 [sflag:s5], $0x4000  }
0x6e: {  	s15 =	simm.s32 @p5 $0x5;
	s22 =	simm.s32 @p5 $0x6900;
	[sflag:s5] =	ssyncset.done @p5 $0x0  }
0x6f: {  	s24 =	simm.s32 @p5 $0x2880;
	[sflag:s5] =	ssyncadd.s32 @p5 $0xFFFFC000;
	s5 =	simm.s32 @p5 $0x80  }
0x70: {  	[spmem:s3] =	stream.indirect.scatter.add.f32 @p5 [tilespmem:s22], [sflag:$0x5], $0x80, s24, s5, $0xb8;
	[tilespmem:$0x1E900] =	vst v63  }
0x71: {  	_ =	swait.ge @p5 [sflag:s15], $0x4000  }
0x72: {  	p0 =	por p3, !p5;
	[sflag:s15] =	ssyncset.done @p5 $0x0  }
0x73: {  	s5 =	simm.s32 @!p0 $0x0;
	[sflag:s15] =	ssyncadd.s32 @p5 $0xFFFFC000;
	s15 =	simm.s32 @!p0 $0x2880  }
0x74: {  	[tilespmem:s15], [sflag:$0x4] =	stream.linear.gather @!p0 [hbm4b:s29+s5], $0x80, $0x38;
	[tilespmem:$0x1E900] =	vst v63  }
0x75: {  	s22 =	simm.s32 @!p5 $0x3;
	s5 =	simm.s32 @!p0 $0x80;
	s15 =	simm.s32 @!p0 $0x6900  }
0x76: {  	[tilespmem:s15], [sflag:$0x2] =	stream.indirect.gather @!p0 [hbm4b:s1+s5], $0x80, s28, s5, $0xb8;
	[tilespmem:$0x1E900] =	vst v63  }
0x77: {  	_ =	swait.ge @!p5 [sflag:s22], $0x80  }
0x78: {  	[sflag:s22] =	ssyncset.done @!p5 $0x0  }
0x79: {  	s5 =	simm.s32 @!p5 $0x1;
	[sflag:s22] =	ssyncadd.s32 @!p5 $0xFFFFFF80  }
0x7a: {  	_ =	swait.ge @!p5 [sflag:s5], $0x4000  }
0x7b: {  	s15 =	simm.s32 @!p5 $0x2900;
	s22 =	simm.s32 @!p5 $0x5;
	[sflag:s5] =	ssyncset.done @!p5 $0x0  }
0x7c: {  	s24 =	simm.s32 @!p5 $0x2800;
	[sflag:s5] =	ssyncadd.s32 @!p5 $0xFFFFC000;
	s5 =	simm.s32 @!p5 $0x80  }
0x7d: {  	[spmem:s3] =	stream.indirect.scatter.add.f32 @!p5 [tilespmem:s15], [sflag:$0x5], $0x80, s24, s5, $0xb8;
	[tilespmem:$0x1E900] =	vst v63  }
.Ltmp3:
0x7e: {  	_ = 	snop;
	(pc) =	sbr.rel @p2 .LBB2_4-.Ltmp3, $4  }
0x7f: {  	s29 =	sadd.s32 $0x10, s29;
	s28 =	sadd.s32 $0x80, s28;
	_ =	swait.ge @!p5 [sflag:s22], $0x4000  }
0x80: {  	p0 =	por p6, p5;
	s5 =	sand.u32 $0x1, s30;
	[sflag:s22] =	ssyncset.done @!p5 $0x0  }
0x81: {  	s15 =	simm.s32 @!p0 $0x0;
	[sflag:s22] =	ssyncadd.s32 @!p5 $0xFFFFC000;
	s22 =	simm.s32 @!p0 $0x2800  }
0x82: {  	[tilespmem:s22], [sflag:$0x3] =	stream.linear.gather @!p0 [hbm4b:s21+s15], $0x80, $0x38;
	[tilespmem:$0x1E900] =	vst v63  }
0x83: {  	p2 =	seq.s32 s5, $0x1  }
0x84: {  	s2 =	simm.s32 @!p0 $0x80;
	s5 =	simm.s32 @!p0 $0x2900;
	s15 =	simm.s32 @p2 $0x4  }
0x85: {  	[tilespmem:s5], [sflag:$0x1] =	stream.indirect.gather @!p0 [hbm4b:s1+s2], $0x80, s31, s2, $0xb8;
	[tilespmem:$0x1E900] =	vst v63  }
0x86: {  	_ =	swait.ge @p2 [sflag:s15], $0x80  }
0x87: {  	[sflag:s15] =	ssyncset.done @p2 $0x0  }
0x88: {  	s2 =	simm.s32 @p2 $0x2;
	[sflag:s15] =	ssyncadd.s32 @p2 $0xFFFFFF80  }
0x89: {  	_ =	swait.ge @p2 [sflag:s2], $0x4000  }
0x8a: {  	s5 =	simm.s32 @p2 $0x6900;
	s21 =	simm.s32 @p2 $0x2880;
	[sflag:s2] =	ssyncset.done @p2 $0x0  }
0x8b: {  	s15 =	simm.s32 @p2 $0x5;
	[sflag:s2] =	ssyncadd.s32 @p2 $0xFFFFC000;
	s2 =	simm.s32 @p2 $0x80  }
0x8c: {  	[spmem:s3] =	stream.indirect.scatter.add.f32 @p2 [tilespmem:s5], [sflag:$0x5], $0x80, s21, s2, $0xb8;
	[tilespmem:$0x1E900] =	vst v63  }
0x8d: {  	p0 =	sgt.u32 @p2 s30, $0x4D;
	_ =	swait.ge @p2 [sflag:s15], $0x4000  }
0x8e: {  	p0 =	por p0, !p2;
	[sflag:s15] =	ssyncset.done @p2 $0x0  }
0x8f: {  	s2 =	simm.s32 @!p0 $0x0;
	s5 =	simm.s32 @!p0 $0x2880;
	[sflag:s15] =	ssyncadd.s32 @p2 $0xFFFFC000  }
0x90: {  	[tilespmem:s5], [sflag:$0x4] =	stream.linear.gather @!p0 [hbm4b:s29+s2], $0x80, $0x38;
	[tilespmem:$0x1E900] =	vst v63  }
0x91: {  	s15 =	simm.s32 @!p2 $0x3;
	s2 =	simm.s32 @!p0 $0x80;
	s5 =	simm.s32 @!p0 $0x6900  }
0x92: {  	[tilespmem:s5], [sflag:$0x2] =	stream.indirect.gather @!p0 [hbm4b:s1+s2], $0x80, s28, s2, $0xb8;
	[tilespmem:$0x1E900] =	vst v63  }
0x93: {  	_ =	swait.ge @!p2 [sflag:s15], $0x80  }
0x94: {  	[sflag:s15] =	ssyncset.done @!p2 $0x0  }
0x95: {  	s2 =	simm.s32 @!p2 $0x1;
	[sflag:s15] =	ssyncadd.s32 @!p2 $0xFFFFFF80  }
0x96: {  	_ =	swait.ge @!p2 [sflag:s2], $0x4000  }
0x97: {  	s21 =	simm.s32 @!p2 $0x2800;
	s5 =	simm.s32 @!p2 $0x2900;
	[sflag:s2] =	ssyncset.done @!p2 $0x0  }
0x98: {  	s15 =	simm.s32 @!p2 $0x5;
	[sflag:s2] =	ssyncadd.s32 @!p2 $0xFFFFC000;
	s2 =	simm.s32 @!p2 $0x80  }
0x99: {  	[spmem:s3] =	stream.indirect.scatter.add.f32 @!p2 [tilespmem:s5], [sflag:$0x5], $0x80, s21, s2, $0xb8;
	[tilespmem:$0x1E900] =	vst v63  }
0x9a: {  	p0 =	sgt.u32 @!p2 s30, $0x4D;
	_ =	swait.ge @!p2 [sflag:s15], $0x4000  }
0x9b: {  	p0 =	por p0, p2;
	[sflag:s15] =	ssyncset.done @!p2 $0x0  }
0x9c: {  	s2 =	simm.s32 @!p0 $0x0;
	s5 =	simm.s32 @!p0 $0x2800;
	[sflag:s15] =	ssyncadd.s32 @!p2 $0xFFFFC000  }
0x9d: {  	[tilespmem:s5], [sflag:$0x3] =	stream.linear.gather @!p0 [hbm4b:s29+s2], $0x80, $0x38;
	[tilespmem:$0x1E900] =	vst v63  }
.Ltmp4:
0x9e: {  	_ = 	snop;
	(pc) =	sbr.rel @!p1 .LBB2_7-.Ltmp4, $3  }
0x9f: {  	s2 =	simm.s32 @!p0 $0x80;
	s5 =	simm.s32 @!p0 $0x2900  }
0xa0: {  	[tilespmem:s5], [sflag:$0x1] =	stream.indirect.gather @!p0 [hbm4b:s1+s2], $0x80, s28, s2, $0xb8;
	[tilespmem:$0x1E900] =	vst v63  }
0xa1: {  	[bflag:$0x0] =	sbarrier.arrive $0xFFFF;
	_ =	sdelay $0x1  }
0xa2: {  	s2 =	sshll.u32 s0, $0x6;
	s5 =	sshrl.u32 s7, $0x3  }
.Ltmp5:
0xa3: {  	s15 =	rddreg [dreg:$0x5];
	s2 =	sor.u32 $0x1C05, s2;
	(pc) =	sbr.rel .LBB2_8-.Ltmp5, $4  }
0xa4: {  	[hbm:s15], [sflag:s2] =	dma.local [spmem:s5], $0x2800  }
0xa5: {  	_ =	swait.ge [sflag:s19], $0x2800  }
0xa6: {  	[sflag:s19] =	ssyncset.done $0x0  }
0xa7: {  	p0 =	por $0x0, $0x0;
	[sflag:s19] =	ssyncadd.s32 $0xFFFFD800  }
.LBB2_7:
0xa8: {  	s15 =	sld [smem:$0x7FC];
	_ =	sdelay $0x2  }
0xa9: {  	p2 =	seq.s32 s15, $0x1  }
.Ltmp6:
0xaa: {  	_ = 	snop;
	(pc) =	sbr.rel @p2 .LBB2_9-.Ltmp6, $2  }
0xab: {  	s2 =	sld [smem:$0x7FB];
	_ =	sdelay $0x2  }
0xac: {  	s5 =	simm.s32 $0xF;
	p0 =	seq.s32 s2, $0x1;
	s2 =	rddreg [dreg:$0x4]  }
.LBB2_8:
0xad: {  	s2 =	sshll.u32 @p4 s0, $0x6  }
0xae: {  	s5 =	sshrl.u32 @p4 s7, $0x3;
	s2 =	sor.u32 @p4 $0x1C05, s2  }
0xaf: {  	[hbm:s16], [sflag:s2] =	dma.local @p4 [spmem:s5], $0x2800  }
0xb0: {  	s5 =	sld [smem:$0x7FD];
	_ =	sdelay $0x2  }
0xb1: {  	p2 =	por @p4 $0x1, $0x1;
	p3 =	seq.s32 s5, $0x1  }
0xb2: {  	p2 =	por @!p4 p3, p3  }
0xb3: {  	p0 =	por !p2, !p0  }
0xb4: {  	p0 =	por !p0, !p0  }
.Ltmp7:
0xb5: {  	_ = 	snop;
	(pc) =	sbr.rel @!p0 .LBB2_10-.Ltmp7, $4  }
.Ltmp8:
0xb6: {  	s2 =	simm.s32 @p4 $0x5;
	(pc) =	sbr.rel @p0 .LBB2_9-.Ltmp8, $4  }
0xb7: {  	_ =	swait.ge @p4 [sflag:s2], $0x2800  }
0xb8: {  	[sflag:s2] =	ssyncset.done @p4 $0x0  }
0xb9: {  	[sflag:s2] =	ssyncadd.s32 @p4 $0xFFFFD800;
	s2 =	smov.u32 s6;
	s5 =	stileid.u32  }
0xba: {  	_ = 	snop  }
.LBB2_11:
0xbb: {  	_ =	sfence.sel $0x180000  }
0xbc: {  	[bflag:$0x0] =	sbarrier.arrive $0xFFFF  }
0xbd: {  	_ =	strace $0x9000004A  }
0xbe: {  	[bflag:$0x2] =	sbarrier.arrive $0xFFFF  }
0xbf: {  	p0 =	sne.s32 s0, $0x0;
	s0 =	rddreg [dreg:$0x3]  }
0xc0: {  	s0 =	sadd.s32 @!p0 $0x100000, s0  }
0xc1: {  	[sflag:s0] =	ssyncadd.tile.s32 @!p0 $0x1;
	_ =	shalt  }
.Lfunc_end2:
_tile_overlayer_lowered:
.L_overlay_start_2:
0xc2: {  	(tag) =	ssettag $0x2  }
0xc3: {  	s0 =	rddreg [dreg:$0x0];
	s2 =	stileid.u32  }
0xc4: {  	s1 =	rddreg [dreg:$0x1];
	p0 =	sne.s32 s2, $0x0  }
0xc5: {  	s3 =	rddreg [dreg:$0x2];
	[bflag:$0x3] =	sbarrier.arrive $0xFFFF;
	s2 =	simm.s32 @!p0 $0x1C05  }
0xc6: {  	[timem:s3], [sflag:s2] =	dma.local @!p0 [hbm:s0], s1  }
0xc7: {  	s0 =	simm.s32 @!p0 $0x5  }
0xc8: {  	_ =	swait.ge @!p0 [sflag:s0], s1  }
0xc9: {  	s1 =	ssub.s32 @!p0 $0x0, s1;
	[sflag:s0] =	ssyncset.done @!p0 $0x0  }
0xca: {  	[sflag:s0] =	ssyncadd.s32 @!p0 s1  }
0xcb: {  	[bflag:$0x3] =	sbarrier.arrive $0xFFFF  }
0xcc: {  	_ =	shalt  }

// kernel: kernel.15.cloned.1.call-start
scs
__scs_entry_jumppad:
0x0: {  	(pc) =	sbr.rel $0x88, $3  }
0x1: {  	(tag) =	ssettag $0x0;
	lr =	simm.s32 $0x1  }
0x2: {  	[smem:$0x3F99] =	sst lr;
	_ =	strace $0xD0000000  }
0x3: {  	_ = 	snop  }
0x4: {  	_ = 	snop  }
0x5: {  	_ = 	snop  }
0x6: {  	_ = 	snop  }
0x7: {  	_ = 	snop  }
__scs_overlays_trampoline_lowered:
0x8: {  	[smem:$0x3FA8] =	sst s0  }
0x9: {  	[smem:$0x3FA9] =	sst s1  }
0xa: {  	[smem:$0x3FAA] =	sst s2  }
0xb: {  	[smem:$0x3FAB] =	sst s3  }
0xc: {  	[smem:$0x3FAC] =	sst s4  }
0xd: {  	[smem:$0x3FAD] =	sst s5  }
0xe: {  	[smem:$0x3FAE] =	sst s6  }
0xf: {  	[smem:$0x3FAF] =	sst s7  }
0x10: {  	[smem:$0x3FB0] =	sst s8  }
0x11: {  	[smem:$0x3FB1] =	sst s9;
	s0 =	simm.s32 @!p0 $0x0  }
0x12: {  	s1 =	sld [smem:$0x3F97];
	s0 =	simm.s32 @p0 $0x1  }
0x13: {  	[smem:$0x3FB2] =	sst s0;
	s0 =	simm.s32 @!p1 $0x0  }
0x14: {  	s2 =	sld [smem:$0x3F96];
	s0 =	simm.s32 @p1 $0x1  }
0x15: {  	[smem:$0x3FB3] =	sst s0;
	s0 =	simm.s32 @!p2 $0x0  }
0x16: {  	s3 =	sld [smem:$0x3FDB];
	s0 =	simm.s32 @p2 $0x1  }
0x17: {  	s4 =	simm.s32 $0x1BF5;
	[smem:$0x3FB5] =	sst s0  }
0x18: {  	s0 =	sld [smem:$0x3F98];
	_ =	swait.ge [sflag:s4], $0x0  }
0x19: {  	s7 =	sld [smem:$0x3F99]  }
0x1a: {  	s8 =	sadd.s32 $0xFFFFE003, lr  }
0x1b: {  	s9 =	sadd.s32 $0xFFFFFEF7, lr;
	s5 =	simm.s32 $0xFFFFFFFF;
	p2 =	slt.u32 s8, $0xFFFFF086  }
0x1c: {  	p1 =	slt.u32 s9, $0xF7A;
	s5 =	simm.s32 @!p2 $0x0  }
0x1d: {  	s5 =	simm.s32 @p1 $0x1;
	p0 =	seq.s32 s7, s2  }
0x1e: {  	s7 =	smul.u32 @!p0 $0xF7A, s2;
	p2 =	seq.s32 @!p0 s5, $0x0  }
0x1f: {  	s9 =	smul.u32 $0xF7A, s1;
	s8 =	simm.s32 @!p0 $0x1BF5;
	p2 =	por !p2, p0  }
0x20: {  	[sflag:s8] =	ssyncset.s32 @!p0 $0xFFFFF086;
	s6 =	sadd.s32 @!p0 s3, s7;
	s7 =	simm.s32 @!p0 $0x108  }
0x21: {  	s3 =	sadd.s32 s3, s9;
	s6 =	sadd.s32 @!p0 $0x88, s6;
	s7 =	simm.s32 @p2 $0x1082  }
0x22: {  	[simem:s7], [sflag:s8] =	dma.local @!p0 [hbm:s6], $0xF7A  }
0x23: {  	s9 =	sor.u32 $0xD0000000, s2;
	s6 =	simm.s32 $0x108;
	_ =	swait.ge @!p0 [sflag:s8], $0x0  }
0x24: {  	s3 =	sadd.s32 $0x88, s3;
	s6 =	simm.s32 @!p1 $0x1082;
	[sflag:s4] =	ssyncset.s32 $0xFFFFF086  }
0x25: {  	[simem:s6], [sflag:s4] =	dma.local [hbm:s3], $0xF7A  }
0x26: {  	[smem:$0x3F99] =	sst s1;
	(tag) =	ssettag s2;
	_ =	strace s9  }
0x27: {  	s1 =	sld [smem:$0x3FA9]  }
0x28: {  	s2 =	sld [smem:$0x3FAA]  }
0x29: {  	s4 =	sld [smem:$0x3FAC]  }
0x2a: {  	p0 =	seq.s32 s5, $0x0;
	s5 =	sld [smem:$0x3FAD]  }
0x2b: {  	s6 =	sld [smem:$0x3FAE]  }
0x2c: {  	s7 =	sld [smem:$0x3FAF]  }
0x2d: {  	s3 =	simm.s32 $0x108;
	s8 =	sld [smem:$0x3FB0]  }
0x2e: {  	s3 =	simm.s32 @!p0 $0x1082;
	s9 =	sld [smem:$0x3FB1]  }
0x2f: {  	lr =	sadd.s32 s0, s3;
	s0 =	sld [smem:$0x3FA8]  }
0x30: {  	s3 =	sld [smem:$0x3FAB]  }
0x31: {  	[smem:$0x3FB4] =	sst s10  }
0x32: {  	s10 =	sld [smem:$0x3FB2];
	_ =	sdelay $0x3  }
0x33: {  	p0 =	seq.s32 s10, $0x1;
	s10 =	sld [smem:$0x3FB4];
	_ =	sdelay $0x3  }
0x34: {  	[smem:$0x3FB4] =	sst s10  }
0x35: {  	s10 =	sld [smem:$0x3FB3];
	_ =	sdelay $0x3  }
0x36: {  	p1 =	seq.s32 s10, $0x1;
	s10 =	sld [smem:$0x3FB4];
	_ =	sdelay $0x3  }
0x37: {  	[smem:$0x3FB4] =	sst s10  }
0x38: {  	s10 =	sld [smem:$0x3FB5]  }
0x39: {  	_ = 	snop;
	(pc) =	sbr.ind lr, $3  }
0x3a: {  	_ = 	snop  }
0x3b: {  	_ = 	snop  }
0x3c: {  	p2 =	seq.s32 s10, $0x1;
	s10 =	sld [smem:$0x3FB4]  }
0x3d: {  	_ =	shalt  }
0x3e: {  	_ =	shalt  }
0x3f: {  	_ =	shalt  }
0x40: {  	_ =	shalt  }
0x41: {  	_ =	shalt  }
0x42: {  	_ =	shalt  }
0x43: {  	_ =	shalt  }
0x44: {  	_ =	shalt  }
0x45: {  	_ =	shalt  }
0x46: {  	_ =	shalt  }
0x47: {  	_ =	shalt  }
0x48: {  	_ =	shalt  }
0x49: {  	_ =	shalt  }
0x4a: {  	_ =	shalt  }
0x4b: {  	_ =	shalt  }
0x4c: {  	_ =	shalt  }
0x4d: {  	_ =	shalt  }
0x4e: {  	_ =	shalt  }
0x4f: {  	_ =	shalt  }
0x50: {  	_ =	shalt  }
0x51: {  	_ =	shalt  }
0x52: {  	_ =	shalt  }
0x53: {  	_ =	shalt  }
0x54: {  	_ =	shalt  }
0x55: {  	_ =	shalt  }
0x56: {  	_ =	shalt  }
0x57: {  	_ =	shalt  }
0x58: {  	_ =	shalt  }
0x59: {  	_ =	shalt  }
0x5a: {  	_ =	shalt  }
0x5b: {  	_ =	shalt  }
0x5c: {  	_ =	shalt  }
0x5d: {  	_ =	shalt  }
0x5e: {  	_ =	shalt  }
0x5f: {  	_ =	shalt  }
0x60: {  	_ =	shalt  }
0x61: {  	_ =	shalt  }
0x62: {  	_ =	shalt  }
0x63: {  	_ =	shalt  }
0x64: {  	_ =	shalt  }
0x65: {  	_ =	shalt  }
0x66: {  	_ =	shalt  }
0x67: {  	_ =	shalt  }
0x68: {  	_ =	shalt  }
0x69: {  	_ =	shalt  }
0x6a: {  	_ =	shalt  }
0x6b: {  	_ =	shalt  }
0x6c: {  	_ =	shalt  }
0x6d: {  	_ =	shalt  }
0x6e: {  	_ =	shalt  }
0x6f: {  	_ =	shalt  }
0x70: {  	_ =	shalt  }
0x71: {  	_ =	shalt  }
0x72: {  	_ =	shalt  }
0x73: {  	_ =	shalt  }
0x74: {  	_ =	shalt  }
0x75: {  	_ =	shalt  }
0x76: {  	_ =	shalt  }
0x77: {  	_ =	shalt  }
0x78: {  	_ =	shalt  }
0x79: {  	_ =	shalt  }
0x7a: {  	_ =	shalt  }
0x7b: {  	_ =	shalt  }
0x7c: {  	_ =	shalt  }
0x7d: {  	_ =	shalt  }
0x7e: {  	_ =	shalt  }
0x7f: {  	_ =	shalt  }
0x80: {  	_ =	shalt  }
0x81: {  	_ =	shalt  }
0x82: {  	_ =	shalt  }
0x83: {  	_ =	shalt  }
0x84: {  	_ =	shalt  }
0x85: {  	_ =	shalt  }
0x86: {  	_ =	shalt  }
0x87: {  	_ =	shalt  }
.Lfunc_end0:
.L_simem_size_0:
called_computation.2_lowered:
.L_overlay_start_0:
0x88: {  	s2 =	sld [smem:$0x3FD9]  }
0x89: {  	s3 =	sld [smem:$0x3FFE];
	_ =	sdelay $0x1  }
0x8a: {  	s1 =	srdreg.scid  }
0x8b: {  	s0 =	sand.u32 $0x1, s1  }
0x8c: {  	s17 =	sshll.u32 s0, $0xA;
	s2 =	sadd.s32 s3, s2  }
0x8d: {  	s2 =	sadd.s32 s2, s17  }
0x8e: {  	[smem:$0x3FC0] =	sst s2  }
0x8f: {  	_ = 	snop  }
0x90: {  	s2 =	sld [smem:$0x3FD0];
	(tm) =	ssettm $0x1  }
0x91: {  	s18 =	sld [smem:$0x3FFB];
	_ =	sdelay $0x3  }
0x92: {  	_ =	strace s18  }
0x93: {  	s3 =	sld [smem:$0x3FFC];
	_ =	sdelay $0x3  }
0x94: {  	_ =	strace s3  }
0x95: {  	s3 =	sld [smem:$0x3FFD];
	_ =	sdelay $0x3  }
0x96: {  	_ =	strace s3  }
0x97: {  	_ =	strace $0x8FFFFFFF  }
0x98: {  	s19 =	sld [smem:$0x3FDB];
	_ =	sdelay $0x1  }
0x99: {  	s4 =	simm.s32 $_scs_section_size  }
0x9a: {  	s5 =	simm.s32 $_size__tile_overlayer_lowered;
	s6 =	simm.s32 $_tile_overlayer_lowered  }
0x9b: {  	s22 =	simm.s32 $0x1BFF;
	s21 =	sshll.u32 s6, $0x1;
	s3 =	sadd.s32 s4, s19  }
0x9c: {  	s7 =	simm.s32 $0x0;
	s20 =	sshll.u32 s5, $0x1;
	s5 =	sadd.s32 s21, s3  }
0x9d: {  	[timem:s7], [sflag:s22] =	dma.local [hbm:s5], s20  }
0x9e: {  	_ =	swait.ge [sflag:s22], s20  }
0x9f: {  	s4 =	ssub.s32 $0x0, s20;
	[sflag:s22] =	ssyncset.done $0x0  }
0xa0: {  	[sflag:s22] =	ssyncadd.s32 s4;
	_ =	sdelay $0x1  }
0xa1: {  	s23 =	simm.s32 $0x1B8B  }
0xa2: {  	_ =	swait.ge [sflag:s23], $0x1  }
0xa3: {  	[sflag:s23] =	ssyncset.done $0x0  }
0xa4: {  	s25 =	simm.s32 $0x1B8E;
	s24 =	sld [smem:$0x3FFE];
	[sflag:s23] =	ssyncadd.s32 $0xFFFFFFFF  }
0xa5: {  	s26 =	simm.s32 $execute0_lowered;
	[smem:$0x3FD2] =	sst s25  }
0xa6: {  	s5 =	sshll.u32 s26, $0x1;
	_ =	strace $0x8000004C;
	[dreg:$0x1] =	wrdreg $0xFFFFFFFF  }
0xa7: {  	s28 =	simm.s32 $_size_execute0_lowered;
	s3 =	sadd.s32 s3, s5;
	[dreg:$0x0] =	wrdreg $0x0  }
0xa8: {  	s5 =	sshll.u32 s28, $0x1;
	[dreg:$0x2] =	wrdreg s3  }
0xa9: {  	[dreg:$0x3] =	wrdreg s5  }
0xaa: {  	[dreg:$0x4] =	wrdreg $0xC0  }
0xab: {  	_ =	task [dreg:s7], $0x5FFFF  }
0xac: {  	[dreg:$0x1] =	wrdreg $0xFFFFFFFF  }
0xad: {  	[dreg:$0x0] =	wrdreg $0x60  }
0xae: {  	[dreg:$0x2] =	wrdreg s2  }
0xaf: {  	[dreg:$0x3] =	wrdreg s24  }
0xb0: {  	[dreg:$0x4] =	wrdreg $0xA9000  }
0xb1: {  	[dreg:$0x5] =	wrdreg $0x9  }
0xb2: {  	_ =	task.clear_ibuf [dreg:s7], $0x6FFFF;
	_ =	strace $0x9000004C  }
0xb3: {  	s29 =	simm.s32 $0x9;
	_ =	strace $0x8000004E  }
0xb4: {  	_ =	swait.ge [sflag:s29], $0x1  }
0xb5: {  	[sflag:s29] =	ssyncadd.s32 $0xFFFFFFFF  }
0xb6: {  	_ =	strace $0x9000004E  }
0xb7: {  	_ =	sfence  }
0xb8: {  	s30 =	sld [smem:$0x0];
	_ =	sdelay $0x2  }
0xb9: {  	s31 =	sshll.u32 s1, $0xD;
	s1 =	sshrl.u32 s1, $0x2  }
0xba: {  	s3 =	sand.u32 $0x4000, s31;
	s1 =	sadd.s32 s1, s30  }
0xbb: {  	s0 =	sor.u32 s3, s0;
	s1 =	sshll.u32 s1, $0x11  }
0xbc: {  	s0 =	sor.u32 s1, s0  }
0xbd: {  	s0 =	sadd.s32 $0x8F2B, s0  }
0xbe: {  	[sflag:s0] =	ssyncadd.remote.s32 $0x1  }
0xbf: {  	_ =	sfence.sel $0xFFFF  }
0xc0: {  	[dreg:$0x0] =	wrdreg $0xFFFFFFFF;
	(pc) =	sbr.abs _section_cstart, $3  }
0xc1: {  	[dreg:$0x1] =	wrdreg $0xFFFFFFFF  }
0xc2: {  	_ =	task.clear_ibuf [dreg:s7], $0x2FFFF;
	_ =	strace $0x9FFFFFFF  }
0xc3: {  	(tm) =	ssettm $0x7FFFFFFF  }
tec
execute0_lowered:
.L_overlay_start_1:
0x0: {  	(tag) =	ssettag $0x1  }
0x1: {  	s1 =	rddreg [dreg:$0x0]  }
0x2: {  	s5 =	rddreg [dreg:$0x1]  }
0x3: {  	s0 =	srdreg.scid;
	s3 =	rddreg [dreg:$0x2];
	s20 =	simm.s32 $0x2900  }
0x4: {  	s2 =	sand.u32 $0x1, s0;
	s0 =	stileid.u32;
	s18 =	sadd.s32 $0xFA00, s5  }
0x5: {  	s19 =	sadd.s32 $0x19A00, s5;
	s26 =	sadd.s32 $0x12C000, s3;
	s4 =	sshll.u32 s2, $0x4  }
0x6: {  	s23 =	smul.u32 $0x50000, s0;
	s9 =	ssub.s32 $0x2, s2;
	p0 =	seq.s32 s2, $0x0  }
0x7: {  	p2 =	sne.s32 s0, $0xF;
	p3 =	seq.s32 s0, $0xF;
	s16 =	smul.u32 $0x2800, s0  }
0x8: {  	s25 =	smul.u32 $0x28000, s2;
	s6 =	sor.u32 s0, s4;
	s4 =	simm.s32 $0x0  }
0x9: {  	s10 =	sshrl.u32 s9, $0x1;
	p1 =	por !p0, !p2;
	s15 =	simm.s32 @!p3 $0x0  }
0xa: {  	p0 =	por !p0, !p3;
	s7 =	smul.u32 $0x500, s6;
	[smem:$0x7FF] =	sst s4  }
0xb: {  	s11 =	smul.u32 $0x2800, s6;
	s6 =	sadd.s32 $0x40C00, s5;
	s24 =	ssub.s32 s9, s10  }
0xc: {  	s15 =	simm.s32 @p3 $0x1;
	p1 =	por !p1, !p1;
	p0 =	por !p0, !p0  }
0xd: {  	s28 =	sadd.s32 s16, s25;
	_ =	strace $0x8000004D;
	[smem:$0x7FB] =	sst s15  }
0xe: {  	s29 =	sadd.s32 s19, s16;
	s25 =	sshrl.u32 s26, $0x3;
	[dreg:$0x4] =	wrdreg s19  }
0xf: {  	s26 =	simm.s32 $0x0;
	s17 =	simm.s32 @!p0 $0x0;
	[dreg:$0x5] =	wrdreg s29  }
0x10: {  	s30 =	sor.u32 $0x100, s28;
	s16 =	sadd.s32 s6, s16;
	s19 =	simm.s32 $0x5  }
0x11: {  	s8 =	sadd.s32 s7, s5;
	s7 =	sshrl.u32 s23, $0x2;
	s12 =	sshrl.u32 s11, $0x3  }
0x12: {  	s17 =	simm.s32 @p0 $0x1;
	p0 =	seq.s32 s2, $0x1;
	s31 =	sshrl.u32 s30, $0x3  }
0x13: {  	s23 =	simm.s32 $0x80;
	s7 =	sadd.s32 s7, s3;
	s8 =	sadd.s32 $0x5A00, s8  }
.Ltmp0:
0x14: {  	s12 =	sadd.s32 s18, s12;
	[smem:$0x7FC] =	sst s17;
	(pc) =	sbr.rel .LBB2_1-.Ltmp0, $4  }
0x15: {  	s17 =	simm.s32 @!p0 $0x0;
	s18 =	sadd.s32 s31, s18;
	s9 =	sadd.s32 $0x4000, s7  }
0x16: {  	s10 =	sadd.s32 $0x8000, s7;
	s11 =	sadd.s32 $0xC000, s7;
	s13 =	sadd.s32 $0x10000, s7  }
0x17: {  	s14 =	sadd.s32 $0x10, s12;
	s17 =	simm.s32 @p0 $0x1;
	p0 =	por !p2, !p0  }
0x18: {  	v0 =	vimm.f32 $0.0e+00;
	[smem:$0x7FD] =	sst s17;
	p4 =	por !p0, !p0;
	s17 =	smax.u32 s24, $0x1  }
.LBB2_9:
0x19: {  	s5 =	sshll.u32 s5, $0x6  }
0x1a: {  	s2 =	sadd.s32 $0x25800, s2;
	s5 =	sor.u32 $0x1C05, s5  }
0x1b: {  	[hbm:s2], [sflag:s5] =	dma.local [spmem:s25], $0x1900  }
0x1c: {  	_ =	swait.ge [sflag:s19], $0x1900  }
0x1d: {  	[sflag:s19] =	ssyncset.done $0x0  }
0x1e: {  	[sflag:s19] =	ssyncadd.s32 $0xFFFFE700  }
.LBB2_10:
0x1f: {  	s26 =	sadd.s32 $0x1, s26  }
0x20: {  	p0 =	sne.s32 s26, s17  }
.Ltmp1:
0x21: {  	_ = 	snop;
	(pc) =	sbr.rel @!p0 .LBB2_11-.Ltmp1, $1  }
0x22: {  	_ =	sdelay $0x3  }
.LBB2_1:
0x23: {  	[tilespmem:s4], [sflag:$0x5] =	stream.linear.gather [hbm4b:s8+s4], $0x2800, $0x38;
	[tilespmem:$0x1E900] =	vst v63  }
0x24: {  	s2 =	simm.s32 $0x0  }
0x25: {  	s5 =	sand.u32 $0xFFFFFF80, s2  }
0x26: {  	_ =	swait.ge [sflag:s19], $0x2800;
	s5 =	ssub.s32 $0x0, s5  }
0x27: {  	s2 =	sand.u32 $0x3FFFFF80, s2;
	[sflag:s19] =	ssyncset.done $0x0;
	s5 =	sand.u32 $0xFFFFFF80, s5  }
0x28: {  	s28 =	sand.u32 $0x70, s4;
	[sflag:s19] =	ssyncadd.s32 $0xFFFFD800;
	s5 =	sadd.s32 s5, s2  }
0x29: {  	s2 =	simm.s32 $0x1;
	s5 =	sor.u32 s28, s5;
	s28 =	simm.s32 $0x0  }
.LBB2_2:
0x2a: {  	s29 =	sshll.u32 s2, $0x4;
	p0 =	sne.s32 s2, $0x3FF;
	s2 =	sadd.s32 $0x1, s2;
	[tilespmem:s5+$0x2900] =	vst v0  }
.Ltmp2:
0x2b: {  	s28 =	sadd.s32 $0x10, s28;
	s5 =	sand.u32 $0xFFFFFF80, s29;
	(pc) =	sbr.rel @p0 .LBB2_2-.Ltmp2, $4  }
0x2c: {  	s5 =	ssub.s32 s28, s5  }
0x2d: {  	s29 =	sand.u32 $0x3FFFFF80, s29;
	s5 =	sand.u32 $0xFFFFFF80, s5  }
0x2e: {  	s30 =	sand.u32 $0x70, s28;
	s5 =	sadd.s32 s5, s29  }
0x2f: {  	s5 =	sor.u32 s30, s5  }
0x30: {  	[tilespmem:s5+$0x2900] =	vst v0  }
0x31: {  	[spmem:s7] =	stream.linear.scatter [tilespmem:s20], [sflag:$0x5], $0x4000, $0x38;
	[tilespmem:$0x1E900] =	vst v63  }
0x32: {  	_ =	swait.ge [sflag:s19], $0x4000  }
0x33: {  	[sflag:s19] =	ssyncset.done $0x0  }
0x34: {  	[sflag:s19] =	ssyncadd.s32 $0xFFFFC000  }
0x35: {  	[spmem:s9] =	stream.linear.scatter [tilespmem:s20], [sflag:$0x5], $0x4000, $0x38;
	[tilespmem:$0x1E900] =	vst v63  }
0x36: {  	_ =	swait.ge [sflag:s19], $0x4000  }
0x37: {  	[sflag:s19] =	ssyncset.done $0x0  }
0x38: {  	[sflag:s19] =	ssyncadd.s32 $0xFFFFC000  }
0x39: {  	[spmem:s10] =	stream.linear.scatter [tilespmem:s20], [sflag:$0x5], $0x4000, $0x38;
	[tilespmem:$0x1E900] =	vst v63  }
0x3a: {  	_ =	swait.ge [sflag:s19], $0x4000  }
0x3b: {  	[sflag:s19] =	ssyncset.done $0x0  }
0x3c: {  	[sflag:s19] =	ssyncadd.s32 $0xFFFFC000  }
0x3d: {  	[spmem:s11] =	stream.linear.scatter [tilespmem:s20], [sflag:$0x5], $0x4000, $0x38;
	[tilespmem:$0x1E900] =	vst v63  }
0x3e: {  	_ =	swait.ge [sflag:s19], $0x4000  }
0x3f: {  	[sflag:s19] =	ssyncset.done $0x0  }
0x40: {  	[sflag:s19] =	ssyncadd.s32 $0xFFFFC000  }
0x41: {  	[spmem:s13] =	stream.linear.scatter [tilespmem:s20], [sflag:$0x5], $0x4000, $0x38;
	[tilespmem:$0x1E900] =	vst v63  }
0x42: {  	_ =	swait.ge [sflag:s19], $0x4000  }
0x43: {  	[sflag:s19] =	ssyncset.done $0x0  }
0x44: {  	s2 =	simm.s32 $0x0;
	s21 =	simm.s32 $0x2800;
	[sflag:s19] =	ssyncadd.s32 $0xFFFFC000  }
0x45: {  	[tilespmem:s21], [sflag:$0x3] =	stream.linear.gather [hbm4b:s12+s2], $0x80, $0x38;
	[tilespmem:$0x1E900] =	vst v63  }
0x46: {  	s22 =	simm.s32 $0x2880  }
0x47: {  	[tilespmem:s22], [sflag:$0x4] =	stream.linear.gather [hbm4b:s14+s2], $0x80, $0x38;
	[tilespmem:$0x1E900] =	vst v63  }
0x48: {  	_ = 	snop  }
0x49: {  	[tilespmem:s20], [sflag:$0x1] =	stream.indirect.gather [hbm4b:s1+s23], $0x80, s2, s23, $0xb8;
	[tilespmem:$0x1E900] =	vst v63  }
0x4a: {  	s2 =	sand.u32 $0x1, s2  }
0x4b: {  	s24 =	simm.s32 $0x6900;
	p2 =	seq.s32 s2, $0x1  }
0x4c: {  	[tilespmem:s24], [sflag:$0x2] =	stream.indirect.gather [hbm4b:s1+s23], $0x80, s23, s23, $0xb8;
	[tilespmem:$0x1E900] =	vst v63  }
0x4d: {  	s2 =	simm.s32 @p2 $0x4;
	[bflag:$0x0] =	sbarrier.arrive $0xFFFF  }
0x4e: {  	_ =	swait.ge @p2 [sflag:s2], $0x80  }
0x4f: {  	[sflag:s2] =	ssyncset.done @p2 $0x0  }
0x50: {  	[sflag:s2] =	ssyncadd.s32 @p2 $0xFFFFFF80;
	s2 =	simm.s32 @p2 $0x2  }
0x51: {  	_ =	swait.ge @p2 [sflag:s2], $0x4000  }
0x52: {  	s5 =	simm.s32 @p2 $0x6900;
	s28 =	simm.s32 @p2 $0x5;
	[sflag:s2] =	ssyncset.done @p2 $0x0  }
0x53: {  	s29 =	simm.s32 @p2 $0x2880;
	[sflag:s2] =	ssyncadd.s32 @p2 $0xFFFFC000;
	s2 =	simm.s32 @p2 $0x80  }
0x54: {  	[spmem:s3] =	stream.indirect.scatter.add.f32 @p2 [tilespmem:s5], [sflag:$0x5], $0x80, s29, s2, $0xb8;
	[tilespmem:$0x1E900] =	vst v63  }
0x55: {  	p0 =	por @p2 $0x0, $0x0;
	_ =	swait.ge @p2 [sflag:s28], $0x4000  }
0x56: {  	s31 =	simm.s32 $0x100;
	p0 =	por p0, !p2;
	[sflag:s28] =	ssyncset.done @p2 $0x0  }
0x57: {  	s2 =	simm.s32 @!p0 $0x0;
	s5 =	simm.s32 @!p0 $0x2880;
	[sflag:s28] =	ssyncadd.s32 @p2 $0xFFFFC000  }
0x58: {  	[tilespmem:s5], [sflag:$0x4] =	stream.linear.gather @!p0 [hbm4b:s18+s2], $0x80, $0x38;
	[tilespmem:$0x1E900] =	vst v63  }
0x59: {  	s28 =	simm.s32 @!p2 $0x3;
	s2 =	simm.s32 @!p0 $0x80;
	s5 =	simm.s32 @!p0 $0x6900  }
0x5a: {  	[tilespmem:s5], [sflag:$0x2] =	stream.indirect.gather @!p0 [hbm4b:s1+s2], $0x80, s31, s2, $0xb8;
	[tilespmem:$0x1E900] =	vst v63  }
0x5b: {  	_ =	swait.ge @!p2 [sflag:s28], $0x80  }
0x5c: {  	[sflag:s28] =	ssyncset.done @!p2 $0x0  }
0x5d: {  	s2 =	simm.s32 @!p2 $0x1;
	[sflag:s28] =	ssyncadd.s32 @!p2 $0xFFFFFF80  }
0x5e: {  	s29 =	simm.s32 @!p2 $0x2800;
	_ =	swait.ge @!p2 [sflag:s2], $0x4000  }
0x5f: {  	s5 =	simm.s32 @!p2 $0x2900;
	p0 =	por @!p2 $0x0, $0x0;
	[sflag:s2] =	ssyncset.done @!p2 $0x0  }
0x60: {  	s28 =	simm.s32 @!p2 $0x5;
	[sflag:s2] =	ssyncadd.s32 @!p2 $0xFFFFC000;
	s2 =	simm.s32 @!p2 $0x80  }
0x61: {  	[spmem:s3] =	stream.indirect.scatter.add.f32 @!p2 [tilespmem:s5], [sflag:$0x5], $0x80, s29, s2, $0xb8;
	[tilespmem:$0x1E900] =	vst v63  }
0x62: {  	p0 =	por p0, p2;
	_ =	swait.ge @!p2 [sflag:s28], $0x4000  }
0x63: {  	s30 =	simm.s32 $0x1;
	s2 =	simm.s32 @!p0 $0x0;
	[sflag:s28] =	ssyncset.done @!p2 $0x0  }
0x64: {  	s5 =	simm.s32 @!p0 $0x2800;
	s29 =	sadd.s32 $0x10, s18;
	[sflag:s28] =	ssyncadd.s32 @!p2 $0xFFFFC000  }
0x65: {  	[tilespmem:s5], [sflag:$0x3] =	stream.linear.gather @!p0 [hbm4b:s18+s2], $0x80, $0x38;
	[tilespmem:$0x1E900] =	vst v63  }
0x66: {  	s28 =	simm.s32 $0x180;
	s2 =	simm.s32 $0x2;
	s5 =	sand.u32 $0x1, s30  }
.LBB2_4:
0x67: {  	p5 =	seq.s32 s5, $0x1;
	s5 =	simm.s32 @!p0 $0x80;
	s21 =	simm.s32 @!p0 $0x2900  }
0x68: {  	p3 =	sgt.u32 @p5 s30, $0x4D;
	s22 =	simm.s32 @p5 $0x4;
	p6 =	sgt.u32 @!p5 s30, $0x4D  }
0x69: {  	[tilespmem:s21], [sflag:$0x1] =	stream.indirect.gather @!p0 [hbm4b:s1+s5], $0x80, s31, s5, $0xb8;
	[tilespmem:$0x1E900] =	vst v63  }
0x6a: {  	s30 =	smov.u32 s2;
	s2 =	sadd.s32 $0x1, s2;
	_ =	swait.ge @p5 [sflag:s22], $0x80  }
0x6b: {  	p2 =	sne.s32 s2, $0x50;
	s31 =	smov.u32 s28;
	[sflag:s22] =	ssyncset.done @p5 $0x0  }
0x6c: {  	s5 =	simm.s32 @p5 $0x2;
	s21 =	smov.u32 s29;
	[sflag:s22] =	ssyncadd.s32 @p5 $0xFFFFFF80  }
0x6d: {  	_ =	swait.ge @p5 [sflag:s5], $0x4000  }
0x6e: {  	s15 =	simm.s32 @p5 $0x5;
	s22 =	simm.s32 @p5 $0x6900;
	[sflag:s5] =	ssyncset.done @p5 $0x0  }
0x6f: {  	s24 =	simm.s32 @p5 $0x2880;
	[sflag:s5] =	ssyncadd.s32 @p5 $0xFFFFC000;
	s5 =	simm.s32 @p5 $0x80  }
0x70: {  	[spmem:s3] =	stream.indirect.scatter.add.f32 @p5 [tilespmem:s22], [sflag:$0x5], $0x80, s24, s5, $0xb8;
	[tilespmem:$0x1E900] =	vst v63  }
0x71: {  	_ =	swait.ge @p5 [sflag:s15], $0x4000  }
0x72: {  	p0 =	por p3, !p5;
	[sflag:s15] =	ssyncset.done @p5 $0x0  }
0x73: {  	s5 =	simm.s32 @!p0 $0x0;
	[sflag:s15] =	ssyncadd.s32 @p5 $0xFFFFC000;
	s15 =	simm.s32 @!p0 $0x2880  }
0x74: {  	[tilespmem:s15], [sflag:$0x4] =	stream.linear.gather @!p0 [hbm4b:s29+s5], $0x80, $0x38;
	[tilespmem:$0x1E900] =	vst v63  }
0x75: {  	s22 =	simm.s32 @!p5 $0x3;
	s5 =	simm.s32 @!p0 $0x80;
	s15 =	simm.s32 @!p0 $0x6900  }
0x76: {  	[tilespmem:s15], [sflag:$0x2] =	stream.indirect.gather @!p0 [hbm4b:s1+s5], $0x80, s28, s5, $0xb8;
	[tilespmem:$0x1E900] =	vst v63  }
0x77: {  	_ =	swait.ge @!p5 [sflag:s22], $0x80  }
0x78: {  	[sflag:s22] =	ssyncset.done @!p5 $0x0  }
0x79: {  	s5 =	simm.s32 @!p5 $0x1;
	[sflag:s22] =	ssyncadd.s32 @!p5 $0xFFFFFF80  }
0x7a: {  	_ =	swait.ge @!p5 [sflag:s5], $0x4000  }
0x7b: {  	s15 =	simm.s32 @!p5 $0x2900;
	s22 =	simm.s32 @!p5 $0x5;
	[sflag:s5] =	ssyncset.done @!p5 $0x0  }
0x7c: {  	s24 =	simm.s32 @!p5 $0x2800;
	[sflag:s5] =	ssyncadd.s32 @!p5 $0xFFFFC000;
	s5 =	simm.s32 @!p5 $0x80  }
0x7d: {  	[spmem:s3] =	stream.indirect.scatter.add.f32 @!p5 [tilespmem:s15], [sflag:$0x5], $0x80, s24, s5, $0xb8;
	[tilespmem:$0x1E900] =	vst v63  }
.Ltmp3:
0x7e: {  	_ = 	snop;
	(pc) =	sbr.rel @p2 .LBB2_4-.Ltmp3, $4  }
0x7f: {  	s29 =	sadd.s32 $0x10, s29;
	s28 =	sadd.s32 $0x80, s28;
	_ =	swait.ge @!p5 [sflag:s22], $0x4000  }
0x80: {  	p0 =	por p6, p5;
	s5 =	sand.u32 $0x1, s30;
	[sflag:s22] =	ssyncset.done @!p5 $0x0  }
0x81: {  	s15 =	simm.s32 @!p0 $0x0;
	[sflag:s22] =	ssyncadd.s32 @!p5 $0xFFFFC000;
	s22 =	simm.s32 @!p0 $0x2800  }
0x82: {  	[tilespmem:s22], [sflag:$0x3] =	stream.linear.gather @!p0 [hbm4b:s21+s15], $0x80, $0x38;
	[tilespmem:$0x1E900] =	vst v63  }
0x83: {  	p2 =	seq.s32 s5, $0x1  }
0x84: {  	s2 =	simm.s32 @!p0 $0x80;
	s5 =	simm.s32 @!p0 $0x2900;
	s15 =	simm.s32 @p2 $0x4  }
0x85: {  	[tilespmem:s5], [sflag:$0x1] =	stream.indirect.gather @!p0 [hbm4b:s1+s2], $0x80, s31, s2, $0xb8;
	[tilespmem:$0x1E900] =	vst v63  }
0x86: {  	_ =	swait.ge @p2 [sflag:s15], $0x80  }
0x87: {  	[sflag:s15] =	ssyncset.done @p2 $0x0  }
0x88: {  	s2 =	simm.s32 @p2 $0x2;
	[sflag:s15] =	ssyncadd.s32 @p2 $0xFFFFFF80  }
0x89: {  	_ =	swait.ge @p2 [sflag:s2], $0x4000  }
0x8a: {  	s5 =	simm.s32 @p2 $0x6900;
	s21 =	simm.s32 @p2 $0x2880;
	[sflag:s2] =	ssyncset.done @p2 $0x0  }
0x8b: {  	s15 =	simm.s32 @p2 $0x5;
	[sflag:s2] =	ssyncadd.s32 @p2 $0xFFFFC000;
	s2 =	simm.s32 @p2 $0x80  }
0x8c: {  	[spmem:s3] =	stream.indirect.scatter.add.f32 @p2 [tilespmem:s5], [sflag:$0x5], $0x80, s21, s2, $0xb8;
	[tilespmem:$0x1E900] =	vst v63  }
0x8d: {  	p0 =	sgt.u32 @p2 s30, $0x4D;
	_ =	swait.ge @p2 [sflag:s15], $0x4000  }
0x8e: {  	p0 =	por p0, !p2;
	[sflag:s15] =	ssyncset.done @p2 $0x0  }
0x8f: {  	s2 =	simm.s32 @!p0 $0x0;
	s5 =	simm.s32 @!p0 $0x2880;
	[sflag:s15] =	ssyncadd.s32 @p2 $0xFFFFC000  }
0x90: {  	[tilespmem:s5], [sflag:$0x4] =	stream.linear.gather @!p0 [hbm4b:s29+s2], $0x80, $0x38;
	[tilespmem:$0x1E900] =	vst v63  }
0x91: {  	s15 =	simm.s32 @!p2 $0x3;
	s2 =	simm.s32 @!p0 $0x80;
	s5 =	simm.s32 @!p0 $0x6900  }
0x92: {  	[tilespmem:s5], [sflag:$0x2] =	stream.indirect.gather @!p0 [hbm4b:s1+s2], $0x80, s28, s2, $0xb8;
	[tilespmem:$0x1E900] =	vst v63  }
0x93: {  	_ =	swait.ge @!p2 [sflag:s15], $0x80  }
0x94: {  	[sflag:s15] =	ssyncset.done @!p2 $0x0  }
0x95: {  	s2 =	simm.s32 @!p2 $0x1;
	[sflag:s15] =	ssyncadd.s32 @!p2 $0xFFFFFF80  }
0x96: {  	_ =	swait.ge @!p2 [sflag:s2], $0x4000  }
0x97: {  	s21 =	simm.s32 @!p2 $0x2800;
	s5 =	simm.s32 @!p2 $0x2900;
	[sflag:s2] =	ssyncset.done @!p2 $0x0  }
0x98: {  	s15 =	simm.s32 @!p2 $0x5;
	[sflag:s2] =	ssyncadd.s32 @!p2 $0xFFFFC000;
	s2 =	simm.s32 @!p2 $0x80  }
0x99: {  	[spmem:s3] =	stream.indirect.scatter.add.f32 @!p2 [tilespmem:s5], [sflag:$0x5], $0x80, s21, s2, $0xb8;
	[tilespmem:$0x1E900] =	vst v63  }
0x9a: {  	p0 =	sgt.u32 @!p2 s30, $0x4D;
	_ =	swait.ge @!p2 [sflag:s15], $0x4000  }
0x9b: {  	p0 =	por p0, p2;
	[sflag:s15] =	ssyncset.done @!p2 $0x0  }
0x9c: {  	s2 =	simm.s32 @!p0 $0x0;
	s5 =	simm.s32 @!p0 $0x2800;
	[sflag:s15] =	ssyncadd.s32 @!p2 $0xFFFFC000  }
0x9d: {  	[tilespmem:s5], [sflag:$0x3] =	stream.linear.gather @!p0 [hbm4b:s29+s2], $0x80, $0x38;
	[tilespmem:$0x1E900] =	vst v63  }
.Ltmp4:
0x9e: {  	_ = 	snop;
	(pc) =	sbr.rel @!p1 .LBB2_7-.Ltmp4, $3  }
0x9f: {  	s2 =	simm.s32 @!p0 $0x80;
	s5 =	simm.s32 @!p0 $0x2900  }
0xa0: {  	[tilespmem:s5], [sflag:$0x1] =	stream.indirect.gather @!p0 [hbm4b:s1+s2], $0x80, s28, s2, $0xb8;
	[tilespmem:$0x1E900] =	vst v63  }
0xa1: {  	[bflag:$0x0] =	sbarrier.arrive $0xFFFF;
	_ =	sdelay $0x1  }
0xa2: {  	s2 =	sshll.u32 s0, $0x6;
	s5 =	sshrl.u32 s7, $0x3  }
.Ltmp5:
0xa3: {  	s15 =	rddreg [dreg:$0x5];
	s2 =	sor.u32 $0x1C05, s2;
	(pc) =	sbr.rel .LBB2_8-.Ltmp5, $4  }
0xa4: {  	[hbm:s15], [sflag:s2] =	dma.local [spmem:s5], $0x2800  }
0xa5: {  	_ =	swait.ge [sflag:s19], $0x2800  }
0xa6: {  	[sflag:s19] =	ssyncset.done $0x0  }
0xa7: {  	p0 =	por $0x0, $0x0;
	[sflag:s19] =	ssyncadd.s32 $0xFFFFD800  }
.LBB2_7:
0xa8: {  	s15 =	sld [smem:$0x7FC];
	_ =	sdelay $0x2  }
0xa9: {  	p2 =	seq.s32 s15, $0x1  }
.Ltmp6:
0xaa: {  	_ = 	snop;
	(pc) =	sbr.rel @p2 .LBB2_9-.Ltmp6, $2  }
0xab: {  	s2 =	sld [smem:$0x7FB];
	_ =	sdelay $0x2  }
0xac: {  	s5 =	simm.s32 $0xF;
	p0 =	seq.s32 s2, $0x1;
	s2 =	rddreg [dreg:$0x4]  }
.LBB2_8:
0xad: {  	s2 =	sshll.u32 @p4 s0, $0x6  }
0xae: {  	s5 =	sshrl.u32 @p4 s7, $0x3;
	s2 =	sor.u32 @p4 $0x1C05, s2  }
0xaf: {  	[hbm:s16], [sflag:s2] =	dma.local @p4 [spmem:s5], $0x2800  }
0xb0: {  	s5 =	sld [smem:$0x7FD];
	_ =	sdelay $0x2  }
0xb1: {  	p2 =	por @p4 $0x1, $0x1;
	p3 =	seq.s32 s5, $0x1  }
0xb2: {  	p2 =	por @!p4 p3, p3  }
0xb3: {  	p0 =	por !p2, !p0  }
0xb4: {  	p0 =	por !p0, !p0  }
.Ltmp7:
0xb5: {  	_ = 	snop;
	(pc) =	sbr.rel @!p0 .LBB2_10-.Ltmp7, $4  }
.Ltmp8:
0xb6: {  	s2 =	simm.s32 @p4 $0x5;
	(pc) =	sbr.rel @p0 .LBB2_9-.Ltmp8, $4  }
0xb7: {  	_ =	swait.ge @p4 [sflag:s2], $0x2800  }
0xb8: {  	[sflag:s2] =	ssyncset.done @p4 $0x0  }
0xb9: {  	[sflag:s2] =	ssyncadd.s32 @p4 $0xFFFFD800;
	s2 =	smov.u32 s6;
	s5 =	stileid.u32  }
0xba: {  	_ = 	snop  }
.LBB2_11:
0xbb: {  	_ =	sfence.sel $0x180000  }
0xbc: {  	[bflag:$0x0] =	sbarrier.arrive $0xFFFF  }
0xbd: {  	_ =	strace $0x9000004D  }
0xbe: {  	[bflag:$0x2] =	sbarrier.arrive $0xFFFF  }
0xbf: {  	p0 =	sne.s32 s0, $0x0;
	s0 =	rddreg [dreg:$0x3]  }
0xc0: {  	s0 =	sadd.s32 @!p0 $0x100000, s0  }
0xc1: {  	[sflag:s0] =	ssyncadd.tile.s32 @!p0 $0x1;
	_ =	shalt  }
.Lfunc_end2:
_tile_overlayer_lowered:
.L_overlay_start_2:
0xc2: {  	(tag) =	ssettag $0x2  }
0xc3: {  	s0 =	rddreg [dreg:$0x0];
	s2 =	stileid.u32  }
0xc4: {  	s1 =	rddreg [dreg:$0x1];
	p0 =	sne.s32 s2, $0x0  }
0xc5: {  	s3 =	rddreg [dreg:$0x2];
	[bflag:$0x3] =	sbarrier.arrive $0xFFFF;
	s2 =	simm.s32 @!p0 $0x1C05  }
0xc6: {  	[timem:s3], [sflag:s2] =	dma.local @!p0 [hbm:s0], s1  }
0xc7: {  	s0 =	simm.s32 @!p0 $0x5  }
0xc8: {  	_ =	swait.ge @!p0 [sflag:s0], s1  }
0xc9: {  	s1 =	ssub.s32 @!p0 $0x0, s1;
	[sflag:s0] =	ssyncset.done @!p0 $0x0  }
0xca: {  	[sflag:s0] =	ssyncadd.s32 @!p0 s1  }
0xcb: {  	[bflag:$0x3] =	sbarrier.arrive $0xFFFF  }
0xcc: {  	_ =	shalt  }

// kernel: kernel.9.cloned.1.call-start
scs
__scs_entry_jumppad:
0x0: {  	(pc) =	sbr.rel $0x88, $3  }
0x1: {  	(tag) =	ssettag $0x0;
	lr =	simm.s32 $0x1  }
0x2: {  	[smem:$0x3F99] =	sst lr;
	_ =	strace $0xD0000000  }
0x3: {  	_ = 	snop  }
0x4: {  	_ = 	snop  }
0x5: {  	_ = 	snop  }
0x6: {  	_ = 	snop  }
0x7: {  	_ = 	snop  }
__scs_overlays_trampoline_lowered:
0x8: {  	[smem:$0x3FA8] =	sst s0  }
0x9: {  	[smem:$0x3FA9] =	sst s1  }
0xa: {  	[smem:$0x3FAA] =	sst s2  }
0xb: {  	[smem:$0x3FAB] =	sst s3  }
0xc: {  	[smem:$0x3FAC] =	sst s4  }
0xd: {  	[smem:$0x3FAD] =	sst s5  }
0xe: {  	[smem:$0x3FAE] =	sst s6  }
0xf: {  	[smem:$0x3FAF] =	sst s7  }
0x10: {  	[smem:$0x3FB0] =	sst s8  }
0x11: {  	[smem:$0x3FB1] =	sst s9;
	s0 =	simm.s32 @!p0 $0x0  }
0x12: {  	s1 =	sld [smem:$0x3F97];
	s0 =	simm.s32 @p0 $0x1  }
0x13: {  	[smem:$0x3FB2] =	sst s0;
	s0 =	simm.s32 @!p1 $0x0  }
0x14: {  	s2 =	sld [smem:$0x3F96];
	s0 =	simm.s32 @p1 $0x1  }
0x15: {  	[smem:$0x3FB3] =	sst s0;
	s0 =	simm.s32 @!p2 $0x0  }
0x16: {  	s3 =	sld [smem:$0x3FDB];
	s0 =	simm.s32 @p2 $0x1  }
0x17: {  	s4 =	simm.s32 $0x1BF5;
	[smem:$0x3FB5] =	sst s0  }
0x18: {  	s0 =	sld [smem:$0x3F98];
	_ =	swait.ge [sflag:s4], $0x0  }
0x19: {  	s7 =	sld [smem:$0x3F99]  }
0x1a: {  	s8 =	sadd.s32 $0xFFFFE003, lr  }
0x1b: {  	s9 =	sadd.s32 $0xFFFFFEF7, lr;
	s5 =	simm.s32 $0xFFFFFFFF;
	p2 =	slt.u32 s8, $0xFFFFF086  }
0x1c: {  	p1 =	slt.u32 s9, $0xF7A;
	s5 =	simm.s32 @!p2 $0x0  }
0x1d: {  	s5 =	simm.s32 @p1 $0x1;
	p0 =	seq.s32 s7, s2  }
0x1e: {  	s7 =	smul.u32 @!p0 $0xF7A, s2;
	p2 =	seq.s32 @!p0 s5, $0x0  }
0x1f: {  	s9 =	smul.u32 $0xF7A, s1;
	s8 =	simm.s32 @!p0 $0x1BF5;
	p2 =	por !p2, p0  }
0x20: {  	[sflag:s8] =	ssyncset.s32 @!p0 $0xFFFFF086;
	s6 =	sadd.s32 @!p0 s3, s7;
	s7 =	simm.s32 @!p0 $0x108  }
0x21: {  	s3 =	sadd.s32 s3, s9;
	s6 =	sadd.s32 @!p0 $0x88, s6;
	s7 =	simm.s32 @p2 $0x1082  }
0x22: {  	[simem:s7], [sflag:s8] =	dma.local @!p0 [hbm:s6], $0xF7A  }
0x23: {  	s9 =	sor.u32 $0xD0000000, s2;
	s6 =	simm.s32 $0x108;
	_ =	swait.ge @!p0 [sflag:s8], $0x0  }
0x24: {  	s3 =	sadd.s32 $0x88, s3;
	s6 =	simm.s32 @!p1 $0x1082;
	[sflag:s4] =	ssyncset.s32 $0xFFFFF086  }
0x25: {  	[simem:s6], [sflag:s4] =	dma.local [hbm:s3], $0xF7A  }
0x26: {  	[smem:$0x3F99] =	sst s1;
	(tag) =	ssettag s2;
	_ =	strace s9  }
0x27: {  	s1 =	sld [smem:$0x3FA9]  }
0x28: {  	s2 =	sld [smem:$0x3FAA]  }
0x29: {  	s4 =	sld [smem:$0x3FAC]  }
0x2a: {  	p0 =	seq.s32 s5, $0x0;
	s5 =	sld [smem:$0x3FAD]  }
0x2b: {  	s6 =	sld [smem:$0x3FAE]  }
0x2c: {  	s7 =	sld [smem:$0x3FAF]  }
0x2d: {  	s3 =	simm.s32 $0x108;
	s8 =	sld [smem:$0x3FB0]  }
0x2e: {  	s3 =	simm.s32 @!p0 $0x1082;
	s9 =	sld [smem:$0x3FB1]  }
0x2f: {  	lr =	sadd.s32 s0, s3;
	s0 =	sld [smem:$0x3FA8]  }
0x30: {  	s3 =	sld [smem:$0x3FAB]  }
0x31: {  	[smem:$0x3FB4] =	sst s10  }
0x32: {  	s10 =	sld [smem:$0x3FB2];
	_ =	sdelay $0x3  }
0x33: {  	p0 =	seq.s32 s10, $0x1;
	s10 =	sld [smem:$0x3FB4];
	_ =	sdelay $0x3  }
0x34: {  	[smem:$0x3FB4] =	sst s10  }
0x35: {  	s10 =	sld [smem:$0x3FB3];
	_ =	sdelay $0x3  }
0x36: {  	p1 =	seq.s32 s10, $0x1;
	s10 =	sld [smem:$0x3FB4];
	_ =	sdelay $0x3  }
0x37: {  	[smem:$0x3FB4] =	sst s10  }
0x38: {  	s10 =	sld [smem:$0x3FB5]  }
0x39: {  	_ = 	snop;
	(pc) =	sbr.ind lr, $3  }
0x3a: {  	_ = 	snop  }
0x3b: {  	_ = 	snop  }
0x3c: {  	p2 =	seq.s32 s10, $0x1;
	s10 =	sld [smem:$0x3FB4]  }
0x3d: {  	_ =	shalt  }
0x3e: {  	_ =	shalt  }
0x3f: {  	_ =	shalt  }
0x40: {  	_ =	shalt  }
0x41: {  	_ =	shalt  }
0x42: {  	_ =	shalt  }
0x43: {  	_ =	shalt  }
0x44: {  	_ =	shalt  }
0x45: {  	_ =	shalt  }
0x46: {  	_ =	shalt  }
0x47: {  	_ =	shalt  }
0x48: {  	_ =	shalt  }
0x49: {  	_ =	shalt  }
0x4a: {  	_ =	shalt  }
0x4b: {  	_ =	shalt  }
0x4c: {  	_ =	shalt  }
0x4d: {  	_ =	shalt  }
0x4e: {  	_ =	shalt  }
0x4f: {  	_ =	shalt  }
0x50: {  	_ =	shalt  }
0x51: {  	_ =	shalt  }
0x52: {  	_ =	shalt  }
0x53: {  	_ =	shalt  }
0x54: {  	_ =	shalt  }
0x55: {  	_ =	shalt  }
0x56: {  	_ =	shalt  }
0x57: {  	_ =	shalt  }
0x58: {  	_ =	shalt  }
0x59: {  	_ =	shalt  }
0x5a: {  	_ =	shalt  }
0x5b: {  	_ =	shalt  }
0x5c: {  	_ =	shalt  }
0x5d: {  	_ =	shalt  }
0x5e: {  	_ =	shalt  }
0x5f: {  	_ =	shalt  }
0x60: {  	_ =	shalt  }
0x61: {  	_ =	shalt  }
0x62: {  	_ =	shalt  }
0x63: {  	_ =	shalt  }
0x64: {  	_ =	shalt  }
0x65: {  	_ =	shalt  }
0x66: {  	_ =	shalt  }
0x67: {  	_ =	shalt  }
0x68: {  	_ =	shalt  }
0x69: {  	_ =	shalt  }
0x6a: {  	_ =	shalt  }
0x6b: {  	_ =	shalt  }
0x6c: {  	_ =	shalt  }
0x6d: {  	_ =	shalt  }
0x6e: {  	_ =	shalt  }
0x6f: {  	_ =	shalt  }
0x70: {  	_ =	shalt  }
0x71: {  	_ =	shalt  }
0x72: {  	_ =	shalt  }
0x73: {  	_ =	shalt  }
0x74: {  	_ =	shalt  }
0x75: {  	_ =	shalt  }
0x76: {  	_ =	shalt  }
0x77: {  	_ =	shalt  }
0x78: {  	_ =	shalt  }
0x79: {  	_ =	shalt  }
0x7a: {  	_ =	shalt  }
0x7b: {  	_ =	shalt  }
0x7c: {  	_ =	shalt  }
0x7d: {  	_ =	shalt  }
0x7e: {  	_ =	shalt  }
0x7f: {  	_ =	shalt  }
0x80: {  	_ =	shalt  }
0x81: {  	_ =	shalt  }
0x82: {  	_ =	shalt  }
0x83: {  	_ =	shalt  }
0x84: {  	_ =	shalt  }
0x85: {  	_ =	shalt  }
0x86: {  	_ =	shalt  }
0x87: {  	_ =	shalt  }
.Lfunc_end0:
.L_simem_size_0:
called_computation_lowered:
.L_overlay_start_0:
0x88: {  	s2 =	sld [smem:$0x3FD9]  }
0x89: {  	s3 =	sld [smem:$0x3FFE];
	_ =	sdelay $0x1  }
0x8a: {  	s1 =	srdreg.scid  }
0x8b: {  	s0 =	sand.u32 $0x1, s1  }
0x8c: {  	s17 =	sshll.u32 s0, $0xA;
	s2 =	sadd.s32 s3, s2  }
0x8d: {  	s2 =	sadd.s32 s2, s17  }
0x8e: {  	[smem:$0x3FC0] =	sst s2  }
0x8f: {  	_ = 	snop  }
0x90: {  	s2 =	sld [smem:$0x3FD0];
	(tm) =	ssettm $0x1  }
0x91: {  	s18 =	sld [smem:$0x3FFB];
	_ =	sdelay $0x3  }
0x92: {  	_ =	strace s18  }
0x93: {  	s3 =	sld [smem:$0x3FFC];
	_ =	sdelay $0x3  }
0x94: {  	_ =	strace s3  }
0x95: {  	s3 =	sld [smem:$0x3FFD];
	_ =	sdelay $0x3  }
0x96: {  	_ =	strace s3  }
0x97: {  	_ =	strace $0x8FFFFFFF  }
0x98: {  	s19 =	sld [smem:$0x3FDB];
	_ =	sdelay $0x1  }
0x99: {  	s4 =	simm.s32 $_scs_section_size  }
0x9a: {  	s5 =	simm.s32 $_size__tile_overlayer_lowered;
	s6 =	simm.s32 $_tile_overlayer_lowered  }
0x9b: {  	s22 =	simm.s32 $0x1BFF;
	s21 =	sshll.u32 s6, $0x1;
	s3 =	sadd.s32 s4, s19  }
0x9c: {  	s7 =	simm.s32 $0x0;
	s20 =	sshll.u32 s5, $0x1;
	s5 =	sadd.s32 s21, s3  }
0x9d: {  	[timem:s7], [sflag:s22] =	dma.local [hbm:s5], s20  }
0x9e: {  	_ =	swait.ge [sflag:s22], s20  }
0x9f: {  	s4 =	ssub.s32 $0x0, s20;
	[sflag:s22] =	ssyncset.done $0x0  }
0xa0: {  	[sflag:s22] =	ssyncadd.s32 s4;
	_ =	sdelay $0x1  }
0xa1: {  	s23 =	simm.s32 $0x1B8B  }
0xa2: {  	_ =	swait.ge [sflag:s23], $0x1  }
0xa3: {  	[sflag:s23] =	ssyncset.done $0x0  }
0xa4: {  	s25 =	simm.s32 $0x1B8E;
	s24 =	sld [smem:$0x3FFE];
	[sflag:s23] =	ssyncadd.s32 $0xFFFFFFFF  }
0xa5: {  	s26 =	simm.s32 $execute0_lowered;
	[smem:$0x3FD2] =	sst s25  }
0xa6: {  	s5 =	sshll.u32 s26, $0x1;
	_ =	strace $0x80000046;
	[dreg:$0x1] =	wrdreg $0xFFFFFFFF  }
0xa7: {  	s28 =	simm.s32 $_size_execute0_lowered;
	s3 =	sadd.s32 s3, s5;
	[dreg:$0x0] =	wrdreg $0x0  }
0xa8: {  	s5 =	sshll.u32 s28, $0x1;
	[dreg:$0x2] =	wrdreg s3  }
0xa9: {  	[dreg:$0x3] =	wrdreg s5  }
0xaa: {  	[dreg:$0x4] =	wrdreg $0xC0  }
0xab: {  	_ =	task [dreg:s7], $0x5FFFF  }
0xac: {  	[dreg:$0x1] =	wrdreg $0xFFFFFFFF  }
0xad: {  	[dreg:$0x0] =	wrdreg $0x60  }
0xae: {  	[dreg:$0x2] =	wrdreg s2  }
0xaf: {  	[dreg:$0x3] =	wrdreg s24  }
0xb0: {  	[dreg:$0x4] =	wrdreg $0x2B000  }
0xb1: {  	[dreg:$0x5] =	wrdreg $0x9  }
0xb2: {  	_ =	task.clear_ibuf [dreg:s7], $0x6FFFF;
	_ =	strace $0x90000046  }
0xb3: {  	s29 =	simm.s32 $0x9;
	_ =	strace $0x80000048  }
0xb4: {  	_ =	swait.ge [sflag:s29], $0x1  }
0xb5: {  	[sflag:s29] =	ssyncadd.s32 $0xFFFFFFFF  }
0xb6: {  	_ =	strace $0x90000048  }
0xb7: {  	_ =	sfence  }
0xb8: {  	s30 =	sld [smem:$0x0];
	_ =	sdelay $0x2  }
0xb9: {  	s31 =	sshll.u32 s1, $0xD;
	s1 =	sshrl.u32 s1, $0x2  }
0xba: {  	s3 =	sand.u32 $0x4000, s31;
	s1 =	sadd.s32 s1, s30  }
0xbb: {  	s0 =	sor.u32 s3, s0;
	s1 =	sshll.u32 s1, $0x11  }
0xbc: {  	s0 =	sor.u32 s1, s0  }
0xbd: {  	s0 =	sadd.s32 $0x8F2B, s0  }
0xbe: {  	[sflag:s0] =	ssyncadd.remote.s32 $0x1  }
0xbf: {  	_ =	sfence.sel $0xFFFF  }
0xc0: {  	[dreg:$0x0] =	wrdreg $0xFFFFFFFF;
	(pc) =	sbr.abs _section_cstart, $3  }
0xc1: {  	[dreg:$0x1] =	wrdreg $0xFFFFFFFF  }
0xc2: {  	_ =	task.clear_ibuf [dreg:s7], $0x2FFFF;
	_ =	strace $0x9FFFFFFF  }
0xc3: {  	(tm) =	ssettm $0x7FFFFFFF  }
tec
execute0_lowered:
.L_overlay_start_1:
0x0: {  	(tag) =	ssettag $0x1  }
0x1: {  	s6 =	rddreg [dreg:$0x0]  }
0x2: {  	s5 =	rddreg [dreg:$0x1]  }
0x3: {  	s1 =	rddreg [dreg:$0x2]  }
0x4: {  	s2 =	srdreg.scid;
	s0 =	rddreg [dreg:$0x3];
	s3 =	simm.s32 $0x0  }
0x5: {  	s12 =	simm.s32 $0x2A80;
	s13 =	simm.s32 $0x1;
	s17 =	simm.s32 $0x0  }
0x6: {  	s8 =	sand.u32 $0x1, s2;
	[smem:$0x7FF] =	sst s3;
	s2 =	stileid.u32  }
0x7: {  	s4 =	sshll.u32 s8, $0x4;
	_ =	strace $0x80000047;
	s9 =	ssub.s32 $0x2, s8  }
0x8: {  	s11 =	smul.u32 $0xA00, s2;
	p0 =	seq.s32 s2, $0x0;
	p1 =	seq.s32 s8, $0x1  }
0x9: {  	s31 =	sor.u32 s2, s8;
	s7 =	sor.u32 s2, s4;
	s4 =	sadd.s32 $0x5400, s5  }
0xa: {  	s5 =	sadd.s32 $0x4E00, s5;
	s10 =	sshrl.u32 s9, $0x1;
	p0 =	por !p0, !p1  }
0xb: {  	p1 =	sne.s32 s31, $0x0;
	s7 =	smul.u32 $0x500, s7;
	s9 =	ssub.s32 s9, s10  }
0xc: {  	s30 =	sshrl.u32 s11, $0x2;
	p0 =	por !p0, !p0;
	s10 =	simm.s32 $0x2  }
0xd: {  	s11 =	simm.s32 $0x80;
	s14 =	sshll.u32 @!p1 s2, $0x6;
	s15 =	sshrl.u32 @!p1 s1, $0x3  }
0xe: {  	s8 =	smax.u32 s9, $0x1;
	s9 =	simm.s32 $0x280;
	s14 =	sor.u32 @!p1 $0x1C02, s14  }
0xf: {  	v0 =	vimm.f32 $0.0e+00;
	v1 =	vimm.f32 $1.000000000e+00;
	s16 =	sshrl.u32 @p0 s1, $0x3;
	s6 =	sadd.s32 s6, s7;
	s7 =	sadd.s32 s30, s1  }
.LBB2_1:
0x10: {  	[tilespmem:s9], [sflag:$0x2] =	stream.linear.gather [hbm4b:s6+s3], $0x2800, $0x38;
	[tilespmem:$0x2D80] =	vst v63  }
0x11: {  	_ =	swait.ge [sflag:s10], $0x2800  }
0x12: {  	[sflag:s10] =	ssyncset.done $0x0  }
0x13: {  	[sflag:s10] =	ssyncadd.s32 $0xFFFFD800  }
0x14: {  	[tilespmem:$0x0] =	vst v0  }
0x15: {  	[tilespmem:$0x10] =	vst v0  }
0x16: {  	[tilespmem:$0x20] =	vst v0  }
0x17: {  	[tilespmem:$0x30] =	vst v0  }
0x18: {  	[tilespmem:$0x40] =	vst v0  }
0x19: {  	[tilespmem:$0x50] =	vst v0  }
0x1a: {  	[tilespmem:$0x60] =	vst v0  }
0x1b: {  	[tilespmem:$0x70] =	vst v0  }
0x1c: {  	[tilespmem:$0x80] =	vst v0  }
0x1d: {  	[tilespmem:$0x90] =	vst v0  }
0x1e: {  	[tilespmem:$0xA0] =	vst v0  }
0x1f: {  	[tilespmem:$0xB0] =	vst v0  }
0x20: {  	[tilespmem:$0xC0] =	vst v0  }
0x21: {  	[tilespmem:$0xD0] =	vst v0  }
0x22: {  	[tilespmem:$0xE0] =	vst v0  }
0x23: {  	[tilespmem:$0xF0] =	vst v0  }
0x24: {  	[tilespmem:$0x100] =	vst v0  }
0x25: {  	[tilespmem:$0x110] =	vst v0  }
0x26: {  	[tilespmem:$0x120] =	vst v0  }
0x27: {  	[tilespmem:$0x130] =	vst v0  }
0x28: {  	[tilespmem:$0x140] =	vst v0  }
0x29: {  	[tilespmem:$0x150] =	vst v0  }
0x2a: {  	[tilespmem:$0x160] =	vst v0  }
0x2b: {  	[tilespmem:$0x170] =	vst v0  }
0x2c: {  	[tilespmem:$0x180] =	vst v0  }
0x2d: {  	[tilespmem:$0x190] =	vst v0  }
0x2e: {  	[tilespmem:$0x1A0] =	vst v0  }
0x2f: {  	[tilespmem:$0x1B0] =	vst v0  }
0x30: {  	[tilespmem:$0x1C0] =	vst v0  }
0x31: {  	[tilespmem:$0x1D0] =	vst v0  }
0x32: {  	[tilespmem:$0x1E0] =	vst v0  }
0x33: {  	[tilespmem:$0x1F0] =	vst v0  }
0x34: {  	[tilespmem:$0x200] =	vst v0  }
0x35: {  	[tilespmem:$0x210] =	vst v0  }
0x36: {  	[tilespmem:$0x220] =	vst v0  }
0x37: {  	[tilespmem:$0x230] =	vst v0  }
0x38: {  	[tilespmem:$0x240] =	vst v0  }
0x39: {  	[tilespmem:$0x250] =	vst v0  }
0x3a: {  	[tilespmem:$0x260] =	vst v0  }
0x3b: {  	[tilespmem:$0x270] =	vst v0  }
0x3c: {  	[tilespmem:$0x2A80] =	vst v1  }
0x3d: {  	[tilespmem:$0x2A90] =	vst v1  }
0x3e: {  	[tilespmem:$0x2AA0] =	vst v1  }
0x3f: {  	[tilespmem:$0x2AB0] =	vst v1  }
0x40: {  	[tilespmem:$0x2AC0] =	vst v1  }
0x41: {  	[tilespmem:$0x2AD0] =	vst v1  }
0x42: {  	[tilespmem:$0x2AE0] =	vst v1  }
0x43: {  	[tilespmem:$0x2AF0] =	vst v1  }
0x44: {  	[spmem:s7] =	stream.linear.scatter [tilespmem:s3], [sflag:$0x2], $0x280, $0x38;
	[tilespmem:$0x2D80] =	vst v63  }
0x45: {  	_ =	swait.ge [sflag:s10], $0x280  }
0x46: {  	[sflag:s10] =	ssyncset.done $0x0  }
0x47: {  	[sflag:s10] =	ssyncadd.s32 $0xFFFFFD80  }
0x48: {  	s18 =	simm.s32 $0x0;
	[bflag:$0x0] =	sbarrier.arrive $0xFFFF  }
.LBB2_2:
0x49: {  	p2 =	sne.s32 s18, $0x9E00  }
.Ltmp0:
0x4a: {  	_ = 	snop;
	(pc) =	sbr.rel @p2 .LBB2_2-.Ltmp0, $4  }
0x4b: {  	_ = 	snop  }
0x4c: {  	s19 =	sshra.s32 s18, $0x2  }
0x4d: {  	s18 =	sadd.s32 $0x200, s18;
	s19 =	sadd.s32 $0x280, s19  }
0x4e: {  	[spmem:s1] =	stream.indirect.scatter.add.f32 [tilespmem:s12], [sflag:$0x1], $0x1, s19, s11, $0xb8;
	[tilespmem:$0x2D80] =	vst v63  }
0x4f: {  	_ =	swait.ge [sflag:s13], $0x80  }
0x50: {  	s18 =	simm.s32 $0x4F;
	[sflag:s13] =	ssyncset.done $0x0  }
.LBB2_4:
0x51: {  	p2 =	sne.s32 s18, $0x1;
	s18 =	sadd.s32 $0xFFFFFFFF, s18;
	[sflag:s13] =	ssyncadd.s32 $0xFFFFFF80  }
.Ltmp1:
0x52: {  	(pc) =	sbr.rel @p2 .LBB2_4-.Ltmp1, $3  }
0x53: {  	_ =	sdelay $0x1  }
0x54: {  	_ =	swait.ge [sflag:s13], $0x80  }
0x55: {  	[sflag:s13] =	ssyncset.done $0x0  }
0x56: {  	[sflag:s13] =	ssyncadd.s32 $0xFFFFFF80  }
0x57: {  	s18 =	simm.s32 @!p1 $0x2;
	[bflag:$0x0] =	sbarrier.arrive $0xFFFF  }
0x58: {  	[hbm:s4], [sflag:s14] =	dma.local @!p1 [spmem:s15], $0x500  }
0x59: {  	_ =	swait.ge @!p1 [sflag:s18], $0x500  }
0x5a: {  	s17 =	sadd.s32 $0x1, s17;
	[sflag:s18] =	ssyncset.done @!p1 $0x0  }
0x5b: {  	p2 =	sne.s32 s17, s8;
	[sflag:s18] =	ssyncadd.s32 @!p1 $0xFFFFFB00;
	s18 =	simm.s32 @p0 $0x1C02  }
0x5c: {  	[hbm:s5], [sflag:s18] =	dma.local @p0 [spmem:s16], $0x500  }
.Ltmp2:
0x5d: {  	_ = 	snop;
	(pc) =	sbr.rel @p2 .LBB2_1-.Ltmp2, $4  }
0x5e: {  	s18 =	simm.s32 @p0 $0x2  }
0x5f: {  	_ =	swait.ge @p0 [sflag:s18], $0x500  }
0x60: {  	[sflag:s18] =	ssyncset.done @p0 $0x0  }
0x61: {  	[sflag:s18] =	ssyncadd.s32 @p0 $0xFFFFFB00  }
0x62: {  	_ =	sfence.sel $0x180000  }
0x63: {  	[bflag:$0x0] =	sbarrier.arrive $0xFFFF  }
0x64: {  	p0 =	sne.s32 s2, $0x0;
	_ =	strace $0x90000047  }
0x65: {  	s0 =	sadd.s32 @!p0 $0x100000, s0;
	[bflag:$0x2] =	sbarrier.arrive $0xFFFF  }
0x66: {  	[sflag:s0] =	ssyncadd.tile.s32 @!p0 $0x1;
	_ =	shalt  }
.Lfunc_end2:
_tile_overlayer_lowered:
.L_overlay_start_2:
0x67: {  	(tag) =	ssettag $0x2  }
0x68: {  	s0 =	rddreg [dreg:$0x0];
	s2 =	stileid.u32  }
0x69: {  	s1 =	rddreg [dreg:$0x1];
	p0 =	sne.s32 s2, $0x0  }
0x6a: {  	s3 =	rddreg [dreg:$0x2];
	[bflag:$0x3] =	sbarrier.arrive $0xFFFF;
	s2 =	simm.s32 @!p0 $0x1C02  }
0x6b: {  	[timem:s3], [sflag:s2] =	dma.local @!p0 [hbm:s0], s1  }
0x6c: {  	s0 =	simm.s32 @!p0 $0x2  }
0x6d: {  	_ =	swait.ge @!p0 [sflag:s0], s1  }
0x6e: {  	s1 =	ssub.s32 @!p0 $0x0, s1;
	[sflag:s0] =	ssyncset.done @!p0 $0x0  }
0x6f: {  	[sflag:s0] =	ssyncadd.s32 @!p0 s1  }
0x70: {  	[bflag:$0x3] =	sbarrier.arrive $0xFFFF  }
0x71: {  	_ =	shalt  }

</sc_bundles>
